<compile_context>
chip_gen: v7x
topology: tpu7x:2x2x1
jax: 0.10.2.dev20260603
libtpu: 0.0.44.dev20260713+nightly
codegen_flags: <defaults>
</compile_context>

<pallas_src>
import functools

import jax
import jax.numpy as jnp
from jax import lax
from jax.experimental import pallas as pl
from jax.experimental.pallas import tpu as pltpu
from jax.experimental.pallas import tpu_sc as plsc


def kernel(mask, row_embed, col_embed):
    b, h, w = mask.shape
    f_half = row_embed.shape[1]
    f = 2 * f_half

    info = plsc.get_sparse_core_info()
    nw = info.num_cores * info.num_subcores
    rows_per = f // nw

    @functools.partial(
        pl.kernel,
        out_type=jax.ShapeDtypeStruct((b, f, h * w), jnp.float32),
        mesh=plsc.VectorSubcoreMesh(core_axis_name="c", subcore_axis_name="s"),
        scratch_types=[
            pltpu.VMEM((rows_per, h * w), jnp.float32),
            pltpu.SemaphoreType.DMA,
        ],
    )
    def _replicate(row_hbm, out_hbm, slice_v, sem):
        wid = lax.axis_index("s") * info.num_cores + lax.axis_index("c")
        base = wid * rows_per
        copies = [
            pltpu.make_async_copy(slice_v, out_hbm.at[i, pl.ds(base, rows_per)], sem)
            for i in range(b)
        ]
        for c in copies:
            c.start()
        for c in copies:
            c.wait()

    out = _replicate(row_embed)
    return out.reshape(b, f, h, w)

# --- scband reference (transcript-rebuilt; emitter-appended) ---
"""Pipeline reference for scband-position-embedding-learned-506806141280 (READ-ONLY COPY).

The authoritative reference and input builder live on the scoring server;
editing this copy changes nothing except your own understanding.
"""

import jax, jax.numpy as jnp
import numpy as np

NUM_POS = (64, 64)
NUM_POS_FEATS = 512


def setup_inputs(seed: int = 0) -> dict:
    key = jax.random.key(seed)
    k1, k2 = jax.random.split(key)
    mask = jnp.zeros((32, 64, 64), dtype=jnp.bool_)
    row_embed = jax.random.normal(k1, (NUM_POS[0], NUM_POS_FEATS // 2), dtype=jnp.float32)
    col_embed = jax.random.normal(k2, (NUM_POS[1], NUM_POS_FEATS // 2), dtype=jnp.float32)
    return {"mask": mask, "row_embed": row_embed, "col_embed": col_embed}


def reference(mask, row_embed, col_embed):
    h, w = mask.shape[-2], mask.shape[-1]
    i = jnp.arange(w)
    j = jnp.arange(h)
    # embedding lookups (gather)
    x_emb = jnp.take(col_embed, i, axis=0)  # [w, F/2]
    y_emb = jnp.take(row_embed, j, axis=0)  # [h, F/2]
    x_t = jnp.tile(x_emb[None, :, :], (h, 1, 1))      # [h, w, F/2]
    y_t = jnp.tile(y_emb[:, None, :], (1, w, 1))      # [h, w, F/2]
    pos = jnp.concatenate([x_t, y_t], axis=-1)        # [h, w, F]
    pos = jnp.transpose(pos, (2, 0, 1))               # [F, h, w]
    pos = jnp.tile(pos[None, :, :, :], (mask.shape[0], 1, 1, 1))  # [B, F, h, w]
    return pos

if __name__ == "__main__":
    import jax
    _d = setup_inputs()
    print(jax.jit(kernel)(*tuple(_d.values())))

</pallas_src>

<mosaic_0001>
#map = affine_map<(d0, d1) -> (0, 0)>
#map1 = affine_map<(d0, d1) -> (0, 0, 0)>
module attributes {stable_mosaic.version = 14 : i64} {
  func.func @_replicate(%arg0: i32, %arg1: i32, %arg2: memref<64x256xf32, #tpu.memory_space<hbm>>, %arg3: memref<32x512x4096xf32, #tpu.memory_space<hbm>>, %arg4: memref<16x4096xf32, #tpu.memory_space<vmem>>, %arg5: memref<!tpu.dma_semaphore, #tpu.memory_space<semaphore_mem>>) attributes {dimension_semantics = [#tpu.dimension_semantics<core_parallel>, #tpu.dimension_semantics<subcore_parallel>], iteration_bounds = array<i64: 2, 16>, scalar_prefetch = 0 : i64, scratch_operands = 2 : i64, tpu.core_type = #tpu.core_type<sc_vector_subcore>, window_params = [{transform_indices = #map}, {transform_indices = #map1}]} {
    %mul3A = arith.constant 2 : i32
    %mul3A_0 = arith.muli %arg1, %mul3A : i32
    %add3A = arith.addi %mul3A_0, %arg0 : i32
    %mul3A_1 = arith.constant 16 : i32
    %mul3A_2 = arith.muli %add3A, %mul3A_1 : i32
    %dma_start3A = arith.constant 0 : i32
    %dma_start3A_3 = arith.constant 0 : i32
    %dma_start3A_4 = tpu.memref_slice %arg3[%dma_start3A, %mul3A_2, %dma_start3A_3] : memref<32x512x4096xf32, #tpu.memory_space<hbm>> -> memref<1x16x4096xf32, #tpu.memory_space<hbm>>
    %dma_start3A_5 = tpu.memref_squeeze %dma_start3A_4 : memref<1x16x4096xf32, #tpu.memory_space<hbm>> -> memref<16x4096xf32, #tpu.memory_space<hbm>>
    %dma_start3A_6 = arith.constant 0 : i32
    %dma_start3A_7 = tpu.memref_slice %arg3[%dma_start3A, %mul3A_2, %dma_start3A_6] : memref<32x512x4096xf32, #tpu.memory_space<hbm>> -> memref<1x16x4096xf32, #tpu.memory_space<hbm>>
    %dma_start3A_8 = tpu.memref_squeeze %dma_start3A_7 : memref<1x16x4096xf32, #tpu.memory_space<hbm>> -> memref<16x4096xf32, #tpu.memory_space<hbm>>
    tpu.enqueue_dma source(%arg4 : memref<16x4096xf32, #tpu.memory_space<vmem>>) target(%dma_start3A_8 : memref<16x4096xf32, #tpu.memory_space<hbm>>) target_semaphore(%arg5 : memref<!tpu.dma_semaphore, #tpu.memory_space<semaphore_mem>>)
    %dma_start3A_9 = arith.constant 1 : i32
    %dma_start3A_10 = arith.constant 0 : i32
    %dma_start3A_11 = tpu.memref_slice %arg3[%dma_start3A_9, %mul3A_2, %dma_start3A_10] : memref<32x512x4096xf32, #tpu.memory_space<hbm>> -> memref<1x16x4096xf32, #tpu.memory_space<hbm>>
    %dma_start3A_12 = tpu.memref_squeeze %dma_start3A_11 : memref<1x16x4096xf32, #tpu.memory_space<hbm>> -> memref<16x4096xf32, #tpu.memory_space<hbm>>
    %dma_start3A_13 = arith.constant 0 : i32
    %dma_start3A_14 = tpu.memref_slice %arg3[%dma_start3A_9, %mul3A_2, %dma_start3A_13] : memref<32x512x4096xf32, #tpu.memory_space<hbm>> -> memref<1x16x4096xf32, #tpu.memory_space<hbm>>
    %dma_start3A_15 = tpu.memref_squeeze %dma_start3A_14 : memref<1x16x4096xf32, #tpu.memory_space<hbm>> -> memref<16x4096xf32, #tpu.memory_space<hbm>>
    tpu.enqueue_dma source(%arg4 : memref<16x4096xf32, #tpu.memory_space<vmem>>) target(%dma_start3A_15 : memref<16x4096xf32, #tpu.memory_space<hbm>>) target_semaphore(%arg5 : memref<!tpu.dma_semaphore, #tpu.memory_space<semaphore_mem>>)
    %dma_start3A_16 = arith.constant 2 : i32
    %dma_start3A_17 = arith.constant 0 : i32
    %dma_start3A_18 = tpu.memref_slice %arg3[%dma_start3A_16, %mul3A_2, %dma_start3A_17] : memref<32x512x4096xf32, #tpu.memory_space<hbm>> -> memref<1x16x4096xf32, #tpu.memory_space<hbm>>
    %dma_start3A_19 = tpu.memref_squeeze %dma_start3A_18 : memref<1x16x4096xf32, #tpu.memory_space<hbm>> -> memref<16x4096xf32, #tpu.memory_space<hbm>>
    %dma_start3A_20 = arith.constant 0 : i32
    %dma_start3A_21 = tpu.memref_slice %arg3[%dma_start3A_16, %mul3A_2, %dma_start3A_20] : memref<32x512x4096xf32, #tpu.memory_space<hbm>> -> memref<1x16x4096xf32, #tpu.memory_space<hbm>>
    %dma_start3A_22 = tpu.memref_squeeze %dma_start3A_21 : memref<1x16x4096xf32, #tpu.memory_space<hbm>> -> memref<16x4096xf32, #tpu.memory_space<hbm>>
    tpu.enqueue_dma source(%arg4 : memref<16x4096xf32, #tpu.memory_space<vmem>>) target(%dma_start3A_22 : memref<16x4096xf32, #tpu.memory_space<hbm>>) target_semaphore(%arg5 : memref<!tpu.dma_semaphore, #tpu.memory_space<semaphore_mem>>)
    %dma_start3A_23 = arith.constant 3 : i32
    %dma_start3A_24 = arith.constant 0 : i32
    %dma_start3A_25 = tpu.memref_slice %arg3[%dma_start3A_23, %mul3A_2, %dma_start3A_24] : memref<32x512x4096xf32, #tpu.memory_space<hbm>> -> memref<1x16x4096xf32, #tpu.memory_space<hbm>>
    %dma_start3A_26 = tpu.memref_squeeze %dma_start3A_25 : memref<1x16x4096xf32, #tpu.memory_space<hbm>> -> memref<16x4096xf32, #tpu.memory_space<hbm>>
    %dma_start3A_27 = arith.constant 0 : i32
    %dma_start3A_28 = tpu.memref_slice %arg3[%dma_start3A_23, %mul3A_2, %dma_start3A_27] : memref<32x512x4096xf32, #tpu.memory_space<hbm>> -> memref<1x16x4096xf32, #tpu.memory_space<hbm>>
    %dma_start3A_29 = tpu.memref_squeeze %dma_start3A_28 : memref<1x16x4096xf32, #tpu.memory_space<hbm>> -> memref<16x4096xf32, #tpu.memory_space<hbm>>
    tpu.enqueue_dma source(%arg4 : memref<16x4096xf32, #tpu.memory_space<vmem>>) target(%dma_start3A_29 : memref<16x4096xf32, #tpu.memory_space<hbm>>) target_semaphore(%arg5 : memref<!tpu.dma_semaphore, #tpu.memory_space<semaphore_mem>>)
    %dma_start3A_30 = arith.constant 4 : i32
    %dma_start3A_31 = arith.constant 0 : i32
    %dma_start3A_32 = tpu.memref_slice %arg3[%dma_start3A_30, %mul3A_2, %dma_start3A_31] : memref<32x512x4096xf32, #tpu.memory_space<hbm>> -> memref<1x16x4096xf32, #tpu.memory_space<hbm>>
    %dma_start3A_33 = tpu.memref_squeeze %dma_start3A_32 : memref<1x16x4096xf32, #tpu.memory_space<hbm>> -> memref<16x4096xf32, #tpu.memory_space<hbm>>
    %dma_start3A_34 = arith.constant 0 : i32
    %dma_start3A_35 = tpu.memref_slice %arg3[%dma_start3A_30, %mul3A_2, %dma_start3A_34] : memref<32x512x4096xf32, #tpu.memory_space<hbm>> -> memref<1x16x4096xf32, #tpu.memory_space<hbm>>
    %dma_start3A_36 = tpu.memref_squeeze %dma_start3A_35 : memref<1x16x4096xf32, #tpu.memory_space<hbm>> -> memref<16x4096xf32, #tpu.memory_space<hbm>>
    tpu.enqueue_dma source(%arg4 : memref<16x4096xf32, #tpu.memory_space<vmem>>) target(%dma_start3A_36 : memref<16x4096xf32, #tpu.memory_space<hbm>>) target_semaphore(%arg5 : memref<!tpu.dma_semaphore, #tpu.memory_space<semaphore_mem>>)
    %dma_start3A_37 = arith.constant 5 : i32
    %dma_start3A_38 = arith.constant 0 : i32
    %dma_start3A_39 = tpu.memref_slice %arg3[%dma_start3A_37, %mul3A_2, %dma_start3A_38] : memref<32x512x4096xf32, #tpu.memory_space<hbm>> -> memref<1x16x4096xf32, #tpu.memory_space<hbm>>
    %dma_start3A_40 = tpu.memref_squeeze %dma_start3A_39 : memref<1x16x4096xf32, #tpu.memory_space<hbm>> -> memref<16x4096xf32, #tpu.memory_space<hbm>>
    %dma_start3A_41 = arith.constant 0 : i32
    %dma_start3A_42 = tpu.memref_slice %arg3[%dma_start3A_37, %mul3A_2, %dma_start3A_41] : memref<32x512x4096xf32, #tpu.memory_space<hbm>> -> memref<1x16x4096xf32, #tpu.memory_space<hbm>>
    %dma_start3A_43 = tpu.memref_squeeze %dma_start3A_42 : memref<1x16x4096xf32, #tpu.memory_space<hbm>> -> memref<16x4096xf32, #tpu.memory_space<hbm>>
    tpu.enqueue_dma source(%arg4 : memref<16x4096xf32, #tpu.memory_space<vmem>>) target(%dma_start3A_43 : memref<16x4096xf32, #tpu.memory_space<hbm>>) target_semaphore(%arg5 : memref<!tpu.dma_semaphore, #tpu.memory_space<semaphore_mem>>)
    %dma_start3A_44 = arith.constant 6 : i32
    %dma_start3A_45 = arith.constant 0 : i32
    %dma_start3A_46 = tpu.memref_slice %arg3[%dma_start3A_44, %mul3A_2, %dma_start3A_45] : memref<32x512x4096xf32, #tpu.memory_space<hbm>> -> memref<1x16x4096xf32, #tpu.memory_space<hbm>>
    %dma_start3A_47 = tpu.memref_squeeze %dma_start3A_46 : memref<1x16x4096xf32, #tpu.memory_space<hbm>> -> memref<16x4096xf32, #tpu.memory_space<hbm>>
    %dma_start3A_48 = arith.constant 0 : i32
    %dma_start3A_49 = tpu.memref_slice %arg3[%dma_start3A_44, %mul3A_2, %dma_start3A_48] : memref<32x512x4096xf32, #tpu.memory_space<hbm>> -> memref<1x16x4096xf32, #tpu.memory_space<hbm>>
    %dma_start3A_50 = tpu.memref_squeeze %dma_start3A_49 : memref<1x16x4096xf32, #tpu.memory_space<hbm>> -> memref<16x4096xf32, #tpu.memory_space<hbm>>
    tpu.enqueue_dma source(%arg4 : memref<16x4096xf32, #tpu.memory_space<vmem>>) target(%dma_start3A_50 : memref<16x4096xf32, #tpu.memory_space<hbm>>) target_semaphore(%arg5 : memref<!tpu.dma_semaphore, #tpu.memory_space<semaphore_mem>>)
    %dma_start3A_51 = arith.constant 7 : i32
    %dma_start3A_52 = arith.constant 0 : i32
    %dma_start3A_53 = tpu.memref_slice %arg3[%dma_start3A_51, %mul3A_2, %dma_start3A_52] : memref<32x512x4096xf32, #tpu.memory_space<hbm>> -> memref<1x16x4096xf32, #tpu.memory_space<hbm>>
    %dma_start3A_54 = tpu.memref_squeeze %dma_start3A_53 : memref<1x16x4096xf32, #tpu.memory_space<hbm>> -> memref<16x4096xf32, #tpu.memory_space<hbm>>
    %dma_start3A_55 = arith.constant 0 : i32
    %dma_start3A_56 = tpu.memref_slice %arg3[%dma_start3A_51, %mul3A_2, %dma_start3A_55] : memref<32x512x4096xf32, #tpu.memory_space<hbm>> -> memref<1x16x4096xf32, #tpu.memory_space<hbm>>
    %dma_start3A_57 = tpu.memref_squeeze %dma_start3A_56 : memref<1x16x4096xf32, #tpu.memory_space<hbm>> -> memref<16x4096xf32, #tpu.memory_space<hbm>>
    tpu.enqueue_dma source(%arg4 : memref<16x4096xf32, #tpu.memory_space<vmem>>) target(%dma_start3A_57 : memref<16x4096xf32, #tpu.memory_space<hbm>>) target_semaphore(%arg5 : memref<!tpu.dma_semaphore, #tpu.memory_space<semaphore_mem>>)
    %dma_start3A_58 = arith.constant 8 : i32
    %dma_start3A_59 = arith.constant 0 : i32
    %dma_start3A_60 = tpu.memref_slice %arg3[%dma_start3A_58, %mul3A_2, %dma_start3A_59] : memref<32x512x4096xf32, #tpu.memory_space<hbm>> -> memref<1x16x4096xf32, #tpu.memory_space<hbm>>
    %dma_start3A_61 = tpu.memref_squeeze %dma_start3A_60 : memref<1x16x4096xf32, #tpu.memory_space<hbm>> -> memref<16x4096xf32, #tpu.memory_space<hbm>>
    %dma_start3A_62 = arith.constant 0 : i32
    %dma_start3A_63 = tpu.memref_slice %arg3[%dma_start3A_58, %mul3A_2, %dma_start3A_62] : memref<32x512x4096xf32, #tpu.memory_space<hbm>> -> memref<1x16x4096xf32, #tpu.memory_space<hbm>>
    %dma_start3A_64 = tpu.memref_squeeze %dma_start3A_63 : memref<1x16x4096xf32, #tpu.memory_space<hbm>> -> memref<16x4096xf32, #tpu.memory_space<hbm>>
    tpu.enqueue_dma source(%arg4 : memref<16x4096xf32, #tpu.memory_space<vmem>>) target(%dma_start3A_64 : memref<16x4096xf32, #tpu.memory_space<hbm>>) target_semaphore(%arg5 : memref<!tpu.dma_semaphore, #tpu.memory_space<semaphore_mem>>)
    %dma_start3A_65 = arith.constant 9 : i32
    %dma_start3A_66 = arith.constant 0 : i32
    %dma_start3A_67 = tpu.memref_slice %arg3[%dma_start3A_65, %mul3A_2, %dma_start3A_66] : memref<32x512x4096xf32, #tpu.memory_space<hbm>> -> memref<1x16x4096xf32, #tpu.memory_space<hbm>>
    %dma_start3A_68 = tpu.memref_squeeze %dma_start3A_67 : memref<1x16x4096xf32, #tpu.memory_space<hbm>> -> memref<16x4096xf32, #tpu.memory_space<hbm>>
    %dma_start3A_69 = arith.constant 0 : i32
    %dma_start3A_70 = tpu.memref_slice %arg3[%dma_start3A_65, %mul3A_2, %dma_start3A_69] : memref<32x512x4096xf32, #tpu.memory_space<hbm>> -> memref<1x16x4096xf32, #tpu.memory_space<hbm>>
    %dma_start3A_71 = tpu.memref_squeeze %dma_start3A_70 : memref<1x16x4096xf32, #tpu.memory_space<hbm>> -> memref<16x4096xf32, #tpu.memory_space<hbm>>
    tpu.enqueue_dma source(%arg4 : memref<16x4096xf32, #tpu.memory_space<vmem>>) target(%dma_start3A_71 : memref<16x4096xf32, #tpu.memory_space<hbm>>) target_semaphore(%arg5 : memref<!tpu.dma_semaphore, #tpu.memory_space<semaphore_mem>>)
    %dma_start3A_72 = arith.constant 10 : i32
    %dma_start3A_73 = arith.constant 0 : i32
    %dma_start3A_74 = tpu.memref_slice %arg3[%dma_start3A_72, %mul3A_2, %dma_start3A_73] : memref<32x512x4096xf32, #tpu.memory_space<hbm>> -> memref<1x16x4096xf32, #tpu.memory_space<hbm>>
    %dma_start3A_75 = tpu.memref_squeeze %dma_start3A_74 : memref<1x16x4096xf32, #tpu.memory_space<hbm>> -> memref<16x4096xf32, #tpu.memory_space<hbm>>
    %dma_start3A_76 = arith.constant 0 : i32
    %dma_start3A_77 = tpu.memref_slice %arg3[%dma_start3A_72, %mul3A_2, %dma_start3A_76] : memref<32x512x4096xf32, #tpu.memory_space<hbm>> -> memref<1x16x4096xf32, #tpu.memory_space<hbm>>
    %dma_start3A_78 = tpu.memref_squeeze %dma_start3A_77 : memref<1x16x4096xf32, #tpu.memory_space<hbm>> -> memref<16x4096xf32, #tpu.memory_space<hbm>>
    tpu.enqueue_dma source(%arg4 : memref<16x4096xf32, #tpu.memory_space<vmem>>) target(%dma_start3A_78 : memref<16x4096xf32, #tpu.memory_space<hbm>>) target_semaphore(%arg5 : memref<!tpu.dma_semaphore, #tpu.memory_space<semaphore_mem>>)
    %dma_start3A_79 = arith.constant 11 : i32
    %dma_start3A_80 = arith.constant 0 : i32
    %dma_start3A_81 = tpu.memref_slice %arg3[%dma_start3A_79, %mul3A_2, %dma_start3A_80] : memref<32x512x4096xf32, #tpu.memory_space<hbm>> -> memref<1x16x4096xf32, #tpu.memory_space<hbm>>
    %dma_start3A_82 = tpu.memref_squeeze %dma_start3A_81 : memref<1x16x4096xf32, #tpu.memory_space<hbm>> -> memref<16x4096xf32, #tpu.memory_space<hbm>>
    %dma_start3A_83 = arith.constant 0 : i32
    %dma_start3A_84 = tpu.memref_slice %arg3[%dma_start3A_79, %mul3A_2, %dma_start3A_83] : memref<32x512x4096xf32, #tpu.memory_space<hbm>> -> memref<1x16x4096xf32, #tpu.memory_space<hbm>>
    %dma_start3A_85 = tpu.memref_squeeze %dma_start3A_84 : memref<1x16x4096xf32, #tpu.memory_space<hbm>> -> memref<16x4096xf32, #tpu.memory_space<hbm>>
    tpu.enqueue_dma source(%arg4 : memref<16x4096xf32, #tpu.memory_space<vmem>>) target(%dma_start3A_85 : memref<16x4096xf32, #tpu.memory_space<hbm>>) target_semaphore(%arg5 : memref<!tpu.dma_semaphore, #tpu.memory_space<semaphore_mem>>)
    %dma_start3A_86 = arith.constant 12 : i32
    %dma_start3A_87 = arith.constant 0 : i32
    %dma_start3A_88 = tpu.memref_slice %arg3[%dma_start3A_86, %mul3A_2, %dma_start3A_87] : memref<32x512x4096xf32, #tpu.memory_space<hbm>> -> memref<1x16x4096xf32, #tpu.memory_space<hbm>>
    %dma_start3A_89 = tpu.memref_squeeze %dma_start3A_88 : memref<1x16x4096xf32, #tpu.memory_space<hbm>> -> memref<16x4096xf32, #tpu.memory_space<hbm>>
    %dma_start3A_90 = arith.constant 0 : i32
    %dma_start3A_91 = tpu.memref_slice %arg3[%dma_start3A_86, %mul3A_2, %dma_start3A_90] : memref<32x512x4096xf32, #tpu.memory_space<hbm>> -> memref<1x16x4096xf32, #tpu.memory_space<hbm>>
    %dma_start3A_92 = tpu.memref_squeeze %dma_start3A_91 : memref<1x16x4096xf32, #tpu.memory_space<hbm>> -> memref<16x4096xf32, #tpu.memory_space<hbm>>
    tpu.enqueue_dma source(%arg4 : memref<16x4096xf32, #tpu.memory_space<vmem>>) target(%dma_start3A_92 : memref<16x4096xf32, #tpu.memory_space<hbm>>) target_semaphore(%arg5 : memref<!tpu.dma_semaphore, #tpu.memory_space<semaphore_mem>>)
    %dma_start3A_93 = arith.constant 13 : i32
    %dma_start3A_94 = arith.constant 0 : i32
    %dma_start3A_95 = tpu.memref_slice %arg3[%dma_start3A_93, %mul3A_2, %dma_start3A_94] : memref<32x512x4096xf32, #tpu.memory_space<hbm>> -> memref<1x16x4096xf32, #tpu.memory_space<hbm>>
    %dma_start3A_96 = tpu.memref_squeeze %dma_start3A_95 : memref<1x16x4096xf32, #tpu.memory_space<hbm>> -> memref<16x4096xf32, #tpu.memory_space<hbm>>
    %dma_start3A_97 = arith.constant 0 : i32
    %dma_start3A_98 = tpu.memref_slice %arg3[%dma_start3A_93, %mul3A_2, %dma_start3A_97] : memref<32x512x4096xf32, #tpu.memory_space<hbm>> -> memref<1x16x4096xf32, #tpu.memory_space<hbm>>
    %dma_start3A_99 = tpu.memref_squeeze %dma_start3A_98 : memref<1x16x4096xf32, #tpu.memory_space<hbm>> -> memref<16x4096xf32, #tpu.memory_space<hbm>>
    tpu.enqueue_dma source(%arg4 : memref<16x4096xf32, #tpu.memory_space<vmem>>) target(%dma_start3A_99 : memref<16x4096xf32, #tpu.memory_space<hbm>>) target_semaphore(%arg5 : memref<!tpu.dma_semaphore, #tpu.memory_space<semaphore_mem>>)
    %dma_start3A_100 = arith.constant 14 : i32
    %dma_start3A_101 = arith.constant 0 : i32
    %dma_start3A_102 = tpu.memref_slice %arg3[%dma_start3A_100, %mul3A_2, %dma_start3A_101] : memref<32x512x4096xf32, #tpu.memory_space<hbm>> -> memref<1x16x4096xf32, #tpu.memory_space<hbm>>
    %dma_start3A_103 = tpu.memref_squeeze %dma_start3A_102 : memref<1x16x4096xf32, #tpu.memory_space<hbm>> -> memref<16x4096xf32, #tpu.memory_space<hbm>>
    %dma_start3A_104 = arith.constant 0 : i32
    %dma_start3A_105 = tpu.memref_slice %arg3[%dma_start3A_100, %mul3A_2, %dma_start3A_104] : memref<32x512x4096xf32, #tpu.memory_space<hbm>> -> memref<1x16x4096xf32, #tpu.memory_space<hbm>>
    %dma_start3A_106 = tpu.memref_squeeze %dma_start3A_105 : memref<1x16x4096xf32, #tpu.memory_space<hbm>> -> memref<16x4096xf32, #tpu.memory_space<hbm>>
    tpu.enqueue_dma source(%arg4 : memref<16x4096xf32, #tpu.memory_space<vmem>>) target(%dma_start3A_106 : memref<16x4096xf32, #tpu.memory_space<hbm>>) target_semaphore(%arg5 : memref<!tpu.dma_semaphore, #tpu.memory_space<semaphore_mem>>)
    %dma_start3A_107 = arith.constant 15 : i32
    %dma_start3A_108 = arith.constant 0 : i32
    %dma_start3A_109 = tpu.memref_slice %arg3[%dma_start3A_107, %mul3A_2, %dma_start3A_108] : memref<32x512x4096xf32, #tpu.memory_space<hbm>> -> memref<1x16x4096xf32, #tpu.memory_space<hbm>>
    %dma_start3A_110 = tpu.memref_squeeze %dma_start3A_109 : memref<1x16x4096xf32, #tpu.memory_space<hbm>> -> memref<16x4096xf32, #tpu.memory_space<hbm>>
    %dma_start3A_111 = arith.constant 0 : i32
    %dma_start3A_112 = tpu.memref_slice %arg3[%dma_start3A_107, %mul3A_2, %dma_start3A_111] : memref<32x512x4096xf32, #tpu.memory_space<hbm>> -> memref<1x16x4096xf32, #tpu.memory_space<hbm>>
    %dma_start3A_113 = tpu.memref_squeeze %dma_start3A_112 : memref<1x16x4096xf32, #tpu.memory_space<hbm>> -> memref<16x4096xf32, #tpu.memory_space<hbm>>
    tpu.enqueue_dma source(%arg4 : memref<16x4096xf32, #tpu.memory_space<vmem>>) target(%dma_start3A_113 : memref<16x4096xf32, #tpu.memory_space<hbm>>) target_semaphore(%arg5 : memref<!tpu.dma_semaphore, #tpu.memory_space<semaphore_mem>>)
    %dma_start3A_114 = arith.constant 16 : i32
    %dma_start3A_115 = arith.constant 0 : i32
    %dma_start3A_116 = tpu.memref_slice %arg3[%dma_start3A_114, %mul3A_2, %dma_start3A_115] : memref<32x512x4096xf32, #tpu.memory_space<hbm>> -> memref<1x16x4096xf32, #tpu.memory_space<hbm>>
    %dma_start3A_117 = tpu.memref_squeeze %dma_start3A_116 : memref<1x16x4096xf32, #tpu.memory_space<hbm>> -> memref<16x4096xf32, #tpu.memory_space<hbm>>
    %dma_start3A_118 = arith.constant 0 : i32
    %dma_start3A_119 = tpu.memref_slice %arg3[%dma_start3A_114, %mul3A_2, %dma_start3A_118] : memref<32x512x4096xf32, #tpu.memory_space<hbm>> -> memref<1x16x4096xf32, #tpu.memory_space<hbm>>
    %dma_start3A_120 = tpu.memref_squeeze %dma_start3A_119 : memref<1x16x4096xf32, #tpu.memory_space<hbm>> -> memref<16x4096xf32, #tpu.memory_space<hbm>>
    tpu.enqueue_dma source(%arg4 : memref<16x4096xf32, #tpu.memory_space<vmem>>) target(%dma_start3A_120 : memref<16x4096xf32, #tpu.memory_space<hbm>>) target_semaphore(%arg5 : memref<!tpu.dma_semaphore, #tpu.memory_space<semaphore_mem>>)
    %dma_start3A_121 = arith.constant 17 : i32
    %dma_start3A_122 = arith.constant 0 : i32
    %dma_start3A_123 = tpu.memref_slice %arg3[%dma_start3A_121, %mul3A_2, %dma_start3A_122] : memref<32x512x4096xf32, #tpu.memory_space<hbm>> -> memref<1x16x4096xf32, #tpu.memory_space<hbm>>
    %dma_start3A_124 = tpu.memref_squeeze %dma_start3A_123 : memref<1x16x4096xf32, #tpu.memory_space<hbm>> -> memref<16x4096xf32, #tpu.memory_space<hbm>>
    %dma_start3A_125 = arith.constant 0 : i32
    %dma_start3A_126 = tpu.memref_slice %arg3[%dma_start3A_121, %mul3A_2, %dma_start3A_125] : memref<32x512x4096xf32, #tpu.memory_space<hbm>> -> memref<1x16x4096xf32, #tpu.memory_space<hbm>>
    %dma_start3A_127 = tpu.memref_squeeze %dma_start3A_126 : memref<1x16x4096xf32, #tpu.memory_space<hbm>> -> memref<16x4096xf32, #tpu.memory_space<hbm>>
    tpu.enqueue_dma source(%arg4 : memref<16x4096xf32, #tpu.memory_space<vmem>>) target(%dma_start3A_127 : memref<16x4096xf32, #tpu.memory_space<hbm>>) target_semaphore(%arg5 : memref<!tpu.dma_semaphore, #tpu.memory_space<semaphore_mem>>)
    %dma_start3A_128 = arith.constant 18 : i32
    %dma_start3A_129 = arith.constant 0 : i32
    %dma_start3A_130 = tpu.memref_slice %arg3[%dma_start3A_128, %mul3A_2, %dma_start3A_129] : memref<32x512x4096xf32, #tpu.memory_space<hbm>> -> memref<1x16x4096xf32, #tpu.memory_space<hbm>>
    %dma_start3A_131 = tpu.memref_squeeze %dma_start3A_130 : memref<1x16x4096xf32, #tpu.memory_space<hbm>> -> memref<16x4096xf32, #tpu.memory_space<hbm>>
    %dma_start3A_132 = arith.constant 0 : i32
    %dma_start3A_133 = tpu.memref_slice %arg3[%dma_start3A_128, %mul3A_2, %dma_start3A_132] : memref<32x512x4096xf32, #tpu.memory_space<hbm>> -> memref<1x16x4096xf32, #tpu.memory_space<hbm>>
    %dma_start3A_134 = tpu.memref_squeeze %dma_start3A_133 : memref<1x16x4096xf32, #tpu.memory_space<hbm>> -> memref<16x4096xf32, #tpu.memory_space<hbm>>
    tpu.enqueue_dma source(%arg4 : memref<16x4096xf32, #tpu.memory_space<vmem>>) target(%dma_start3A_134 : memref<16x4096xf32, #tpu.memory_space<hbm>>) target_semaphore(%arg5 : memref<!tpu.dma_semaphore, #tpu.memory_space<semaphore_mem>>)
    %dma_start3A_135 = arith.constant 19 : i32
    %dma_start3A_136 = arith.constant 0 : i32
    %dma_start3A_137 = tpu.memref_slice %arg3[%dma_start3A_135, %mul3A_2, %dma_start3A_136] : memref<32x512x4096xf32, #tpu.memory_space<hbm>> -> memref<1x16x4096xf32, #tpu.memory_space<hbm>>
    %dma_start3A_138 = tpu.memref_squeeze %dma_start3A_137 : memref<1x16x4096xf32, #tpu.memory_space<hbm>> -> memref<16x4096xf32, #tpu.memory_space<hbm>>
    %dma_start3A_139 = arith.constant 0 : i32
    %dma_start3A_140 = tpu.memref_slice %arg3[%dma_start3A_135, %mul3A_2, %dma_start3A_139] : memref<32x512x4096xf32, #tpu.memory_space<hbm>> -> memref<1x16x4096xf32, #tpu.memory_space<hbm>>
    %dma_start3A_141 = tpu.memref_squeeze %dma_start3A_140 : memref<1x16x4096xf32, #tpu.memory_space<hbm>> -> memref<16x4096xf32, #tpu.memory_space<hbm>>
    tpu.enqueue_dma source(%arg4 : memref<16x4096xf32, #tpu.memory_space<vmem>>) target(%dma_start3A_141 : memref<16x4096xf32, #tpu.memory_space<hbm>>) target_semaphore(%arg5 : memref<!tpu.dma_semaphore, #tpu.memory_space<semaphore_mem>>)
    %dma_start3A_142 = arith.constant 20 : i32
    %dma_start3A_143 = arith.constant 0 : i32
    %dma_start3A_144 = tpu.memref_slice %arg3[%dma_start3A_142, %mul3A_2, %dma_start3A_143] : memref<32x512x4096xf32, #tpu.memory_space<hbm>> -> memref<1x16x4096xf32, #tpu.memory_space<hbm>>
    %dma_start3A_145 = tpu.memref_squeeze %dma_start3A_144 : memref<1x16x4096xf32, #tpu.memory_space<hbm>> -> memref<16x4096xf32, #tpu.memory_space<hbm>>
    %dma_start3A_146 = arith.constant 0 : i32
    %dma_start3A_147 = tpu.memref_slice %arg3[%dma_start3A_142, %mul3A_2, %dma_start3A_146] : memref<32x512x4096xf32, #tpu.memory_space<hbm>> -> memref<1x16x4096xf32, #tpu.memory_space<hbm>>
    %dma_start3A_148 = tpu.memref_squeeze %dma_start3A_147 : memref<1x16x4096xf32, #tpu.memory_space<hbm>> -> memref<16x4096xf32, #tpu.memory_space<hbm>>
    tpu.enqueue_dma source(%arg4 : memref<16x4096xf32, #tpu.memory_space<vmem>>) target(%dma_start3A_148 : memref<16x4096xf32, #tpu.memory_space<hbm>>) target_semaphore(%arg5 : memref<!tpu.dma_semaphore, #tpu.memory_space<semaphore_mem>>)
    %dma_start3A_149 = arith.constant 21 : i32
    %dma_start3A_150 = arith.constant 0 : i32
    %dma_start3A_151 = tpu.memref_slice %arg3[%dma_start3A_149, %mul3A_2, %dma_start3A_150] : memref<32x512x4096xf32, #tpu.memory_space<hbm>> -> memref<1x16x4096xf32, #tpu.memory_space<hbm>>
    %dma_start3A_152 = tpu.memref_squeeze %dma_start3A_151 : memref<1x16x4096xf32, #tpu.memory_space<hbm>> -> memref<16x4096xf32, #tpu.memory_space<hbm>>
    %dma_start3A_153 = arith.constant 0 : i32
    %dma_start3A_154 = tpu.memref_slice %arg3[%dma_start3A_149, %mul3A_2, %dma_start3A_153] : memref<32x512x4096xf32, #tpu.memory_space<hbm>> -> memref<1x16x4096xf32, #tpu.memory_space<hbm>>
    %dma_start3A_155 = tpu.memref_squeeze %dma_start3A_154 : memref<1x16x4096xf32, #tpu.memory_space<hbm>> -> memref<16x4096xf32, #tpu.memory_space<hbm>>
    tpu.enqueue_dma source(%arg4 : memref<16x4096xf32, #tpu.memory_space<vmem>>) target(%dma_start3A_155 : memref<16x4096xf32, #tpu.memory_space<hbm>>) target_semaphore(%arg5 : memref<!tpu.dma_semaphore, #tpu.memory_space<semaphore_mem>>)
    %dma_start3A_156 = arith.constant 22 : i32
    %dma_start3A_157 = arith.constant 0 : i32
    %dma_start3A_158 = tpu.memref_slice %arg3[%dma_start3A_156, %mul3A_2, %dma_start3A_157] : memref<32x512x4096xf32, #tpu.memory_space<hbm>> -> memref<1x16x4096xf32, #tpu.memory_space<hbm>>
    %dma_start3A_159 = tpu.memref_squeeze %dma_start3A_158 : memref<1x16x4096xf32, #tpu.memory_space<hbm>> -> memref<16x4096xf32, #tpu.memory_space<hbm>>
    %dma_start3A_160 = arith.constant 0 : i32
    %dma_start3A_161 = tpu.memref_slice %arg3[%dma_start3A_156, %mul3A_2, %dma_start3A_160] : memref<32x512x4096xf32, #tpu.memory_space<hbm>> -> memref<1x16x4096xf32, #tpu.memory_space<hbm>>
    %dma_start3A_162 = tpu.memref_squeeze %dma_start3A_161 : memref<1x16x4096xf32, #tpu.memory_space<hbm>> -> memref<16x4096xf32, #tpu.memory_space<hbm>>
    tpu.enqueue_dma source(%arg4 : memref<16x4096xf32, #tpu.memory_space<vmem>>) target(%dma_start3A_162 : memref<16x4096xf32, #tpu.memory_space<hbm>>) target_semaphore(%arg5 : memref<!tpu.dma_semaphore, #tpu.memory_space<semaphore_mem>>)
    %dma_start3A_163 = arith.constant 23 : i32
    %dma_start3A_164 = arith.constant 0 : i32
    %dma_start3A_165 = tpu.memref_slice %arg3[%dma_start3A_163, %mul3A_2, %dma_start3A_164] : memref<32x512x4096xf32, #tpu.memory_space<hbm>> -> memref<1x16x4096xf32, #tpu.memory_space<hbm>>
    %dma_start3A_166 = tpu.memref_squeeze %dma_start3A_165 : memref<1x16x4096xf32, #tpu.memory_space<hbm>> -> memref<16x4096xf32, #tpu.memory_space<hbm>>
    %dma_start3A_167 = arith.constant 0 : i32
    %dma_start3A_168 = tpu.memref_slice %arg3[%dma_start3A_163, %mul3A_2, %dma_start3A_167] : memref<32x512x4096xf32, #tpu.memory_space<hbm>> -> memref<1x16x4096xf32, #tpu.memory_space<hbm>>
    %dma_start3A_169 = tpu.memref_squeeze %dma_start3A_168 : memref<1x16x4096xf32, #tpu.memory_space<hbm>> -> memref<16x4096xf32, #tpu.memory_space<hbm>>
    tpu.enqueue_dma source(%arg4 : memref<16x4096xf32, #tpu.memory_space<vmem>>) target(%dma_start3A_169 : memref<16x4096xf32, #tpu.memory_space<hbm>>) target_semaphore(%arg5 : memref<!tpu.dma_semaphore, #tpu.memory_space<semaphore_mem>>)
    %dma_start3A_170 = arith.constant 24 : i32
    %dma_start3A_171 = arith.constant 0 : i32
    %dma_start3A_172 = tpu.memref_slice %arg3[%dma_start3A_170, %mul3A_2, %dma_start3A_171] : memref<32x512x4096xf32, #tpu.memory_space<hbm>> -> memref<1x16x4096xf32, #tpu.memory_space<hbm>>
    %dma_start3A_173 = tpu.memref_squeeze %dma_start3A_172 : memref<1x16x4096xf32, #tpu.memory_space<hbm>> -> memref<16x4096xf32, #tpu.memory_space<hbm>>
    %dma_start3A_174 = arith.constant 0 : i32
    %dma_start3A_175 = tpu.memref_slice %arg3[%dma_start3A_170, %mul3A_2, %dma_start3A_174] : memref<32x512x4096xf32, #tpu.memory_space<hbm>> -> memref<1x16x4096xf32, #tpu.memory_space<hbm>>
    %dma_start3A_176 = tpu.memref_squeeze %dma_start3A_175 : memref<1x16x4096xf32, #tpu.memory_space<hbm>> -> memref<16x4096xf32, #tpu.memory_space<hbm>>
    tpu.enqueue_dma source(%arg4 : memref<16x4096xf32, #tpu.memory_space<vmem>>) target(%dma_start3A_176 : memref<16x4096xf32, #tpu.memory_space<hbm>>) target_semaphore(%arg5 : memref<!tpu.dma_semaphore, #tpu.memory_space<semaphore_mem>>)
    %dma_start3A_177 = arith.constant 25 : i32
    %dma_start3A_178 = arith.constant 0 : i32
    %dma_start3A_179 = tpu.memref_slice %arg3[%dma_start3A_177, %mul3A_2, %dma_start3A_178] : memref<32x512x4096xf32, #tpu.memory_space<hbm>> -> memref<1x16x4096xf32, #tpu.memory_space<hbm>>
    %dma_start3A_180 = tpu.memref_squeeze %dma_start3A_179 : memref<1x16x4096xf32, #tpu.memory_space<hbm>> -> memref<16x4096xf32, #tpu.memory_space<hbm>>
    %dma_start3A_181 = arith.constant 0 : i32
    %dma_start3A_182 = tpu.memref_slice %arg3[%dma_start3A_177, %mul3A_2, %dma_start3A_181] : memref<32x512x4096xf32, #tpu.memory_space<hbm>> -> memref<1x16x4096xf32, #tpu.memory_space<hbm>>
    %dma_start3A_183 = tpu.memref_squeeze %dma_start3A_182 : memref<1x16x4096xf32, #tpu.memory_space<hbm>> -> memref<16x4096xf32, #tpu.memory_space<hbm>>
    tpu.enqueue_dma source(%arg4 : memref<16x4096xf32, #tpu.memory_space<vmem>>) target(%dma_start3A_183 : memref<16x4096xf32, #tpu.memory_space<hbm>>) target_semaphore(%arg5 : memref<!tpu.dma_semaphore, #tpu.memory_space<semaphore_mem>>)
    %dma_start3A_184 = arith.constant 26 : i32
    %dma_start3A_185 = arith.constant 0 : i32
    %dma_start3A_186 = tpu.memref_slice %arg3[%dma_start3A_184, %mul3A_2, %dma_start3A_185] : memref<32x512x4096xf32, #tpu.memory_space<hbm>> -> memref<1x16x4096xf32, #tpu.memory_space<hbm>>
    %dma_start3A_187 = tpu.memref_squeeze %dma_start3A_186 : memref<1x16x4096xf32, #tpu.memory_space<hbm>> -> memref<16x4096xf32, #tpu.memory_space<hbm>>
    %dma_start3A_188 = arith.constant 0 : i32
    %dma_start3A_189 = tpu.memref_slice %arg3[%dma_start3A_184, %mul3A_2, %dma_start3A_188] : memref<32x512x4096xf32, #tpu.memory_space<hbm>> -> memref<1x16x4096xf32, #tpu.memory_space<hbm>>
    %dma_start3A_190 = tpu.memref_squeeze %dma_start3A_189 : memref<1x16x4096xf32, #tpu.memory_space<hbm>> -> memref<16x4096xf32, #tpu.memory_space<hbm>>
    tpu.enqueue_dma source(%arg4 : memref<16x4096xf32, #tpu.memory_space<vmem>>) target(%dma_start3A_190 : memref<16x4096xf32, #tpu.memory_space<hbm>>) target_semaphore(%arg5 : memref<!tpu.dma_semaphore, #tpu.memory_space<semaphore_mem>>)
    %dma_start3A_191 = arith.constant 27 : i32
    %dma_start3A_192 = arith.constant 0 : i32
    %dma_start3A_193 = tpu.memref_slice %arg3[%dma_start3A_191, %mul3A_2, %dma_start3A_192] : memref<32x512x4096xf32, #tpu.memory_space<hbm>> -> memref<1x16x4096xf32, #tpu.memory_space<hbm>>
    %dma_start3A_194 = tpu.memref_squeeze %dma_start3A_193 : memref<1x16x4096xf32, #tpu.memory_space<hbm>> -> memref<16x4096xf32, #tpu.memory_space<hbm>>
    %dma_start3A_195 = arith.constant 0 : i32
    %dma_start3A_196 = tpu.memref_slice %arg3[%dma_start3A_191, %mul3A_2, %dma_start3A_195] : memref<32x512x4096xf32, #tpu.memory_space<hbm>> -> memref<1x16x4096xf32, #tpu.memory_space<hbm>>
    %dma_start3A_197 = tpu.memref_squeeze %dma_start3A_196 : memref<1x16x4096xf32, #tpu.memory_space<hbm>> -> memref<16x4096xf32, #tpu.memory_space<hbm>>
    tpu.enqueue_dma source(%arg4 : memref<16x4096xf32, #tpu.memory_space<vmem>>) target(%dma_start3A_197 : memref<16x4096xf32, #tpu.memory_space<hbm>>) target_semaphore(%arg5 : memref<!tpu.dma_semaphore, #tpu.memory_space<semaphore_mem>>)
    %dma_start3A_198 = arith.constant 28 : i32
    %dma_start3A_199 = arith.constant 0 : i32
    %dma_start3A_200 = tpu.memref_slice %arg3[%dma_start3A_198, %mul3A_2, %dma_start3A_199] : memref<32x512x4096xf32, #tpu.memory_space<hbm>> -> memref<1x16x4096xf32, #tpu.memory_space<hbm>>
    %dma_start3A_201 = tpu.memref_squeeze %dma_start3A_200 : memref<1x16x4096xf32, #tpu.memory_space<hbm>> -> memref<16x4096xf32, #tpu.memory_space<hbm>>
    %dma_start3A_202 = arith.constant 0 : i32
    %dma_start3A_203 = tpu.memref_slice %arg3[%dma_start3A_198, %mul3A_2, %dma_start3A_202] : memref<32x512x4096xf32, #tpu.memory_space<hbm>> -> memref<1x16x4096xf32, #tpu.memory_space<hbm>>
    %dma_start3A_204 = tpu.memref_squeeze %dma_start3A_203 : memref<1x16x4096xf32, #tpu.memory_space<hbm>> -> memref<16x4096xf32, #tpu.memory_space<hbm>>
    tpu.enqueue_dma source(%arg4 : memref<16x4096xf32, #tpu.memory_space<vmem>>) target(%dma_start3A_204 : memref<16x4096xf32, #tpu.memory_space<hbm>>) target_semaphore(%arg5 : memref<!tpu.dma_semaphore, #tpu.memory_space<semaphore_mem>>)
    %dma_start3A_205 = arith.constant 29 : i32
    %dma_start3A_206 = arith.constant 0 : i32
    %dma_start3A_207 = tpu.memref_slice %arg3[%dma_start3A_205, %mul3A_2, %dma_start3A_206] : memref<32x512x4096xf32, #tpu.memory_space<hbm>> -> memref<1x16x4096xf32, #tpu.memory_space<hbm>>
    %dma_start3A_208 = tpu.memref_squeeze %dma_start3A_207 : memref<1x16x4096xf32, #tpu.memory_space<hbm>> -> memref<16x4096xf32, #tpu.memory_space<hbm>>
    %dma_start3A_209 = arith.constant 0 : i32
    %dma_start3A_210 = tpu.memref_slice %arg3[%dma_start3A_205, %mul3A_2, %dma_start3A_209] : memref<32x512x4096xf32, #tpu.memory_space<hbm>> -> memref<1x16x4096xf32, #tpu.memory_space<hbm>>
    %dma_start3A_211 = tpu.memref_squeeze %dma_start3A_210 : memref<1x16x4096xf32, #tpu.memory_space<hbm>> -> memref<16x4096xf32, #tpu.memory_space<hbm>>
    tpu.enqueue_dma source(%arg4 : memref<16x4096xf32, #tpu.memory_space<vmem>>) target(%dma_start3A_211 : memref<16x4096xf32, #tpu.memory_space<hbm>>) target_semaphore(%arg5 : memref<!tpu.dma_semaphore, #tpu.memory_space<semaphore_mem>>)
    %dma_start3A_212 = arith.constant 30 : i32
    %dma_start3A_213 = arith.constant 0 : i32
    %dma_start3A_214 = tpu.memref_slice %arg3[%dma_start3A_212, %mul3A_2, %dma_start3A_213] : memref<32x512x4096xf32, #tpu.memory_space<hbm>> -> memref<1x16x4096xf32, #tpu.memory_space<hbm>>
    %dma_start3A_215 = tpu.memref_squeeze %dma_start3A_214 : memref<1x16x4096xf32, #tpu.memory_space<hbm>> -> memref<16x4096xf32, #tpu.memory_space<hbm>>
    %dma_start3A_216 = arith.constant 0 : i32
    %dma_start3A_217 = tpu.memref_slice %arg3[%dma_start3A_212, %mul3A_2, %dma_start3A_216] : memref<32x512x4096xf32, #tpu.memory_space<hbm>> -> memref<1x16x4096xf32, #tpu.memory_space<hbm>>
    %dma_start3A_218 = tpu.memref_squeeze %dma_start3A_217 : memref<1x16x4096xf32, #tpu.memory_space<hbm>> -> memref<16x4096xf32, #tpu.memory_space<hbm>>
    tpu.enqueue_dma source(%arg4 : memref<16x4096xf32, #tpu.memory_space<vmem>>) target(%dma_start3A_218 : memref<16x4096xf32, #tpu.memory_space<hbm>>) target_semaphore(%arg5 : memref<!tpu.dma_semaphore, #tpu.memory_space<semaphore_mem>>)
    %dma_start3A_219 = arith.constant 31 : i32
    %dma_start3A_220 = arith.constant 0 : i32
    %dma_start3A_221 = tpu.memref_slice %arg3[%dma_start3A_219, %mul3A_2, %dma_start3A_220] : memref<32x512x4096xf32, #tpu.memory_space<hbm>> -> memref<1x16x4096xf32, #tpu.memory_space<hbm>>
    %dma_start3A_222 = tpu.memref_squeeze %dma_start3A_221 : memref<1x16x4096xf32, #tpu.memory_space<hbm>> -> memref<16x4096xf32, #tpu.memory_space<hbm>>
    %dma_start3A_223 = arith.constant 0 : i32
    %dma_start3A_224 = tpu.memref_slice %arg3[%dma_start3A_219, %mul3A_2, %dma_start3A_223] : memref<32x512x4096xf32, #tpu.memory_space<hbm>> -> memref<1x16x4096xf32, #tpu.memory_space<hbm>>
    %dma_start3A_225 = tpu.memref_squeeze %dma_start3A_224 : memref<1x16x4096xf32, #tpu.memory_space<hbm>> -> memref<16x4096xf32, #tpu.memory_space<hbm>>
    tpu.enqueue_dma source(%arg4 : memref<16x4096xf32, #tpu.memory_space<vmem>>) target(%dma_start3A_225 : memref<16x4096xf32, #tpu.memory_space<hbm>>) target_semaphore(%arg5 : memref<!tpu.dma_semaphore, #tpu.memory_space<semaphore_mem>>)
    %dma_wait3A = arith.constant 0 : i32
    %dma_wait3A_226 = arith.constant 0 : i32
    %dma_wait3A_227 = tpu.memref_slice %arg3[%dma_wait3A, %mul3A_2, %dma_wait3A_226] : memref<32x512x4096xf32, #tpu.memory_space<hbm>> -> memref<1x16x4096xf32, #tpu.memory_space<hbm>>
    %dma_wait3A_228 = tpu.memref_squeeze %dma_wait3A_227 : memref<1x16x4096xf32, #tpu.memory_space<hbm>> -> memref<16x4096xf32, #tpu.memory_space<hbm>>
    %dma_wait3A_229 = arith.constant 0 : i32
    %dma_wait3A_230 = tpu.memref_slice %arg3[%dma_wait3A, %mul3A_2, %dma_wait3A_229] : memref<32x512x4096xf32, #tpu.memory_space<hbm>> -> memref<1x16x4096xf32, #tpu.memory_space<hbm>>
    %dma_wait3A_231 = tpu.memref_squeeze %dma_wait3A_230 : memref<1x16x4096xf32, #tpu.memory_space<hbm>> -> memref<16x4096xf32, #tpu.memory_space<hbm>>
    tpu.wait_dma2 semaphore(%arg5 : memref<!tpu.dma_semaphore, #tpu.memory_space<semaphore_mem>>) src(%arg4 : memref<16x4096xf32, #tpu.memory_space<vmem>>) dst(%dma_wait3A_231 : memref<16x4096xf32, #tpu.memory_space<hbm>>)
    %dma_wait3A_232 = arith.constant 1 : i32
    %dma_wait3A_233 = arith.constant 0 : i32
    %dma_wait3A_234 = tpu.memref_slice %arg3[%dma_wait3A_232, %mul3A_2, %dma_wait3A_233] : memref<32x512x4096xf32, #tpu.memory_space<hbm>> -> memref<1x16x4096xf32, #tpu.memory_space<hbm>>
    %dma_wait3A_235 = tpu.memref_squeeze %dma_wait3A_234 : memref<1x16x4096xf32, #tpu.memory_space<hbm>> -> memref<16x4096xf32, #tpu.memory_space<hbm>>
    %dma_wait3A_236 = arith.constant 0 : i32
    %dma_wait3A_237 = tpu.memref_slice %arg3[%dma_wait3A_232, %mul3A_2, %dma_wait3A_236] : memref<32x512x4096xf32, #tpu.memory_space<hbm>> -> memref<1x16x4096xf32, #tpu.memory_space<hbm>>
    %dma_wait3A_238 = tpu.memref_squeeze %dma_wait3A_237 : memref<1x16x4096xf32, #tpu.memory_space<hbm>> -> memref<16x4096xf32, #tpu.memory_space<hbm>>
    tpu.wait_dma2 semaphore(%arg5 : memref<!tpu.dma_semaphore, #tpu.memory_space<semaphore_mem>>) src(%arg4 : memref<16x4096xf32, #tpu.memory_space<vmem>>) dst(%dma_wait3A_238 : memref<16x4096xf32, #tpu.memory_space<hbm>>)
    %dma_wait3A_239 = arith.constant 2 : i32
    %dma_wait3A_240 = arith.constant 0 : i32
    %dma_wait3A_241 = tpu.memref_slice %arg3[%dma_wait3A_239, %mul3A_2, %dma_wait3A_240] : memref<32x512x4096xf32, #tpu.memory_space<hbm>> -> memref<1x16x4096xf32, #tpu.memory_space<hbm>>
    %dma_wait3A_242 = tpu.memref_squeeze %dma_wait3A_241 : memref<1x16x4096xf32, #tpu.memory_space<hbm>> -> memref<16x4096xf32, #tpu.memory_space<hbm>>
    %dma_wait3A_243 = arith.constant 0 : i32
    %dma_wait3A_244 = tpu.memref_slice %arg3[%dma_wait3A_239, %mul3A_2, %dma_wait3A_243] : memref<32x512x4096xf32, #tpu.memory_space<hbm>> -> memref<1x16x4096xf32, #tpu.memory_space<hbm>>
    %dma_wait3A_245 = tpu.memref_squeeze %dma_wait3A_244 : memref<1x16x4096xf32, #tpu.memory_space<hbm>> -> memref<16x4096xf32, #tpu.memory_space<hbm>>
    tpu.wait_dma2 semaphore(%arg5 : memref<!tpu.dma_semaphore, #tpu.memory_space<semaphore_mem>>) src(%arg4 : memref<16x4096xf32, #tpu.memory_space<vmem>>) dst(%dma_wait3A_245 : memref<16x4096xf32, #tpu.memory_space<hbm>>)
    %dma_wait3A_246 = arith.constant 3 : i32
    %dma_wait3A_247 = arith.constant 0 : i32
    %dma_wait3A_248 = tpu.memref_slice %arg3[%dma_wait3A_246, %mul3A_2, %dma_wait3A_247] : memref<32x512x4096xf32, #tpu.memory_space<hbm>> -> memref<1x16x4096xf32, #tpu.memory_space<hbm>>
    %dma_wait3A_249 = tpu.memref_squeeze %dma_wait3A_248 : memref<1x16x4096xf32, #tpu.memory_space<hbm>> -> memref<16x4096xf32, #tpu.memory_space<hbm>>
    %dma_wait3A_250 = arith.constant 0 : i32
    %dma_wait3A_251 = tpu.memref_slice %arg3[%dma_wait3A_246, %mul3A_2, %dma_wait3A_250] : memref<32x512x4096xf32, #tpu.memory_space<hbm>> -> memref<1x16x4096xf32, #tpu.memory_space<hbm>>
    %dma_wait3A_252 = tpu.memref_squeeze %dma_wait3A_251 : memref<1x16x4096xf32, #tpu.memory_space<hbm>> -> memref<16x4096xf32, #tpu.memory_space<hbm>>
    tpu.wait_dma2 semaphore(%arg5 : memref<!tpu.dma_semaphore, #tpu.memory_space<semaphore_mem>>) src(%arg4 : memref<16x4096xf32, #tpu.memory_space<vmem>>) dst(%dma_wait3A_252 : memref<16x4096xf32, #tpu.memory_space<hbm>>)
    %dma_wait3A_253 = arith.constant 4 : i32
    %dma_wait3A_254 = arith.constant 0 : i32
    %dma_wait3A_255 = tpu.memref_slice %arg3[%dma_wait3A_253, %mul3A_2, %dma_wait3A_254] : memref<32x512x4096xf32, #tpu.memory_space<hbm>> -> memref<1x16x4096xf32, #tpu.memory_space<hbm>>
    %dma_wait3A_256 = tpu.memref_squeeze %dma_wait3A_255 : memref<1x16x4096xf32, #tpu.memory_space<hbm>> -> memref<16x4096xf32, #tpu.memory_space<hbm>>
    %dma_wait3A_257 = arith.constant 0 : i32
    %dma_wait3A_258 = tpu.memref_slice %arg3[%dma_wait3A_253, %mul3A_2, %dma_wait3A_257] : memref<32x512x4096xf32, #tpu.memory_space<hbm>> -> memref<1x16x4096xf32, #tpu.memory_space<hbm>>
    %dma_wait3A_259 = tpu.memref_squeeze %dma_wait3A_258 : memref<1x16x4096xf32, #tpu.memory_space<hbm>> -> memref<16x4096xf32, #tpu.memory_space<hbm>>
    tpu.wait_dma2 semaphore(%arg5 : memref<!tpu.dma_semaphore, #tpu.memory_space<semaphore_mem>>) src(%arg4 : memref<16x4096xf32, #tpu.memory_space<vmem>>) dst(%dma_wait3A_259 : memref<16x4096xf32, #tpu.memory_space<hbm>>)
    %dma_wait3A_260 = arith.constant 5 : i32
    %dma_wait3A_261 = arith.constant 0 : i32
    %dma_wait3A_262 = tpu.memref_slice %arg3[%dma_wait3A_260, %mul3A_2, %dma_wait3A_261] : memref<32x512x4096xf32, #tpu.memory_space<hbm>> -> memref<1x16x4096xf32, #tpu.memory_space<hbm>>
    %dma_wait3A_263 = tpu.memref_squeeze %dma_wait3A_262 : memref<1x16x4096xf32, #tpu.memory_space<hbm>> -> memref<16x4096xf32, #tpu.memory_space<hbm>>
    %dma_wait3A_264 = arith.constant 0 : i32
    %dma_wait3A_265 = tpu.memref_slice %arg3[%dma_wait3A_260, %mul3A_2, %dma_wait3A_264] : memref<32x512x4096xf32, #tpu.memory_space<hbm>> -> memref<1x16x4096xf32, #tpu.memory_space<hbm>>
    %dma_wait3A_266 = tpu.memref_squeeze %dma_wait3A_265 : memref<1x16x4096xf32, #tpu.memory_space<hbm>> -> memref<16x4096xf32, #tpu.memory_space<hbm>>
    tpu.wait_dma2 semaphore(%arg5 : memref<!tpu.dma_semaphore, #tpu.memory_space<semaphore_mem>>) src(%arg4 : memref<16x4096xf32, #tpu.memory_space<vmem>>) dst(%dma_wait3A_266 : memref<16x4096xf32, #tpu.memory_space<hbm>>)
    %dma_wait3A_267 = arith.constant 6 : i32
    %dma_wait3A_268 = arith.constant 0 : i32
    %dma_wait3A_269 = tpu.memref_slice %arg3[%dma_wait3A_267, %mul3A_2, %dma_wait3A_268] : memref<32x512x4096xf32, #tpu.memory_space<hbm>> -> memref<1x16x4096xf32, #tpu.memory_space<hbm>>
    %dma_wait3A_270 = tpu.memref_squeeze %dma_wait3A_269 : memref<1x16x4096xf32, #tpu.memory_space<hbm>> -> memref<16x4096xf32, #tpu.memory_space<hbm>>
    %dma_wait3A_271 = arith.constant 0 : i32
    %dma_wait3A_272 = tpu.memref_slice %arg3[%dma_wait3A_267, %mul3A_2, %dma_wait3A_271] : memref<32x512x4096xf32, #tpu.memory_space<hbm>> -> memref<1x16x4096xf32, #tpu.memory_space<hbm>>
    %dma_wait3A_273 = tpu.memref_squeeze %dma_wait3A_272 : memref<1x16x4096xf32, #tpu.memory_space<hbm>> -> memref<16x4096xf32, #tpu.memory_space<hbm>>
    tpu.wait_dma2 semaphore(%arg5 : memref<!tpu.dma_semaphore, #tpu.memory_space<semaphore_mem>>) src(%arg4 : memref<16x4096xf32, #tpu.memory_space<vmem>>) dst(%dma_wait3A_273 : memref<16x4096xf32, #tpu.memory_space<hbm>>)
    %dma_wait3A_274 = arith.constant 7 : i32
    %dma_wait3A_275 = arith.constant 0 : i32
    %dma_wait3A_276 = tpu.memref_slice %arg3[%dma_wait3A_274, %mul3A_2, %dma_wait3A_275] : memref<32x512x4096xf32, #tpu.memory_space<hbm>> -> memref<1x16x4096xf32, #tpu.memory_space<hbm>>
    %dma_wait3A_277 = tpu.memref_squeeze %dma_wait3A_276 : memref<1x16x4096xf32, #tpu.memory_space<hbm>> -> memref<16x4096xf32, #tpu.memory_space<hbm>>
    %dma_wait3A_278 = arith.constant 0 : i32
    %dma_wait3A_279 = tpu.memref_slice %arg3[%dma_wait3A_274, %mul3A_2, %dma_wait3A_278] : memref<32x512x4096xf32, #tpu.memory_space<hbm>> -> memref<1x16x4096xf32, #tpu.memory_space<hbm>>
    %dma_wait3A_280 = tpu.memref_squeeze %dma_wait3A_279 : memref<1x16x4096xf32, #tpu.memory_space<hbm>> -> memref<16x4096xf32, #tpu.memory_space<hbm>>
    tpu.wait_dma2 semaphore(%arg5 : memref<!tpu.dma_semaphore, #tpu.memory_space<semaphore_mem>>) src(%arg4 : memref<16x4096xf32, #tpu.memory_space<vmem>>) dst(%dma_wait3A_280 : memref<16x4096xf32, #tpu.memory_space<hbm>>)
    %dma_wait3A_281 = arith.constant 8 : i32
    %dma_wait3A_282 = arith.constant 0 : i32
    %dma_wait3A_283 = tpu.memref_slice %arg3[%dma_wait3A_281, %mul3A_2, %dma_wait3A_282] : memref<32x512x4096xf32, #tpu.memory_space<hbm>> -> memref<1x16x4096xf32, #tpu.memory_space<hbm>>
    %dma_wait3A_284 = tpu.memref_squeeze %dma_wait3A_283 : memref<1x16x4096xf32, #tpu.memory_space<hbm>> -> memref<16x4096xf32, #tpu.memory_space<hbm>>
    %dma_wait3A_285 = arith.constant 0 : i32
    %dma_wait3A_286 = tpu.memref_slice %arg3[%dma_wait3A_281, %mul3A_2, %dma_wait3A_285] : memref<32x512x4096xf32, #tpu.memory_space<hbm>> -> memref<1x16x4096xf32, #tpu.memory_space<hbm>>
    %dma_wait3A_287 = tpu.memref_squeeze %dma_wait3A_286 : memref<1x16x4096xf32, #tpu.memory_space<hbm>> -> memref<16x4096xf32, #tpu.memory_space<hbm>>
    tpu.wait_dma2 semaphore(%arg5 : memref<!tpu.dma_semaphore, #tpu.memory_space<semaphore_mem>>) src(%arg4 : memref<16x4096xf32, #tpu.memory_space<vmem>>) dst(%dma_wait3A_287 : memref<16x4096xf32, #tpu.memory_space<hbm>>)
    %dma_wait3A_288 = arith.constant 9 : i32
    %dma_wait3A_289 = arith.constant 0 : i32
    %dma_wait3A_290 = tpu.memref_slice %arg3[%dma_wait3A_288, %mul3A_2, %dma_wait3A_289] : memref<32x512x4096xf32, #tpu.memory_space<hbm>> -> memref<1x16x4096xf32, #tpu.memory_space<hbm>>
    %dma_wait3A_291 = tpu.memref_squeeze %dma_wait3A_290 : memref<1x16x4096xf32, #tpu.memory_space<hbm>> -> memref<16x4096xf32, #tpu.memory_space<hbm>>
    %dma_wait3A_292 = arith.constant 0 : i32
    %dma_wait3A_293 = tpu.memref_slice %arg3[%dma_wait3A_288, %mul3A_2, %dma_wait3A_292] : memref<32x512x4096xf32, #tpu.memory_space<hbm>> -> memref<1x16x4096xf32, #tpu.memory_space<hbm>>
    %dma_wait3A_294 = tpu.memref_squeeze %dma_wait3A_293 : memref<1x16x4096xf32, #tpu.memory_space<hbm>> -> memref<16x4096xf32, #tpu.memory_space<hbm>>
    tpu.wait_dma2 semaphore(%arg5 : memref<!tpu.dma_semaphore, #tpu.memory_space<semaphore_mem>>) src(%arg4 : memref<16x4096xf32, #tpu.memory_space<vmem>>) dst(%dma_wait3A_294 : memref<16x4096xf32, #tpu.memory_space<hbm>>)
    %dma_wait3A_295 = arith.constant 10 : i32
    %dma_wait3A_296 = arith.constant 0 : i32
    %dma_wait3A_297 = tpu.memref_slice %arg3[%dma_wait3A_295, %mul3A_2, %dma_wait3A_296] : memref<32x512x4096xf32, #tpu.memory_space<hbm>> -> memref<1x16x4096xf32, #tpu.memory_space<hbm>>
    %dma_wait3A_298 = tpu.memref_squeeze %dma_wait3A_297 : memref<1x16x4096xf32, #tpu.memory_space<hbm>> -> memref<16x4096xf32, #tpu.memory_space<hbm>>
    %dma_wait3A_299 = arith.constant 0 : i32
    %dma_wait3A_300 = tpu.memref_slice %arg3[%dma_wait3A_295, %mul3A_2, %dma_wait3A_299] : memref<32x512x4096xf32, #tpu.memory_space<hbm>> -> memref<1x16x4096xf32, #tpu.memory_space<hbm>>
    %dma_wait3A_301 = tpu.memref_squeeze %dma_wait3A_300 : memref<1x16x4096xf32, #tpu.memory_space<hbm>> -> memref<16x4096xf32, #tpu.memory_space<hbm>>
    tpu.wait_dma2 semaphore(%arg5 : memref<!tpu.dma_semaphore, #tpu.memory_space<semaphore_mem>>) src(%arg4 : memref<16x4096xf32, #tpu.memory_space<vmem>>) dst(%dma_wait3A_301 : memref<16x4096xf32, #tpu.memory_space<hbm>>)
    %dma_wait3A_302 = arith.constant 11 : i32
    %dma_wait3A_303 = arith.constant 0 : i32
    %dma_wait3A_304 = tpu.memref_slice %arg3[%dma_wait3A_302, %mul3A_2, %dma_wait3A_303] : memref<32x512x4096xf32, #tpu.memory_space<hbm>> -> memref<1x16x4096xf32, #tpu.memory_space<hbm>>
    %dma_wait3A_305 = tpu.memref_squeeze %dma_wait3A_304 : memref<1x16x4096xf32, #tpu.memory_space<hbm>> -> memref<16x4096xf32, #tpu.memory_space<hbm>>
    %dma_wait3A_306 = arith.constant 0 : i32
    %dma_wait3A_307 = tpu.memref_slice %arg3[%dma_wait3A_302, %mul3A_2, %dma_wait3A_306] : memref<32x512x4096xf32, #tpu.memory_space<hbm>> -> memref<1x16x4096xf32, #tpu.memory_space<hbm>>
    %dma_wait3A_308 = tpu.memref_squeeze %dma_wait3A_307 : memref<1x16x4096xf32, #tpu.memory_space<hbm>> -> memref<16x4096xf32, #tpu.memory_space<hbm>>
    tpu.wait_dma2 semaphore(%arg5 : memref<!tpu.dma_semaphore, #tpu.memory_space<semaphore_mem>>) src(%arg4 : memref<16x4096xf32, #tpu.memory_space<vmem>>) dst(%dma_wait3A_308 : memref<16x4096xf32, #tpu.memory_space<hbm>>)
    %dma_wait3A_309 = arith.constant 12 : i32
    %dma_wait3A_310 = arith.constant 0 : i32
    %dma_wait3A_311 = tpu.memref_slice %arg3[%dma_wait3A_309, %mul3A_2, %dma_wait3A_310] : memref<32x512x4096xf32, #tpu.memory_space<hbm>> -> memref<1x16x4096xf32, #tpu.memory_space<hbm>>
    %dma_wait3A_312 = tpu.memref_squeeze %dma_wait3A_311 : memref<1x16x4096xf32, #tpu.memory_space<hbm>> -> memref<16x4096xf32, #tpu.memory_space<hbm>>
    %dma_wait3A_313 = arith.constant 0 : i32
    %dma_wait3A_314 = tpu.memref_slice %arg3[%dma_wait3A_309, %mul3A_2, %dma_wait3A_313] : memref<32x512x4096xf32, #tpu.memory_space<hbm>> -> memref<1x16x4096xf32, #tpu.memory_space<hbm>>
    %dma_wait3A_315 = tpu.memref_squeeze %dma_wait3A_314 : memref<1x16x4096xf32, #tpu.memory_space<hbm>> -> memref<16x4096xf32, #tpu.memory_space<hbm>>
    tpu.wait_dma2 semaphore(%arg5 : memref<!tpu.dma_semaphore, #tpu.memory_space<semaphore_mem>>) src(%arg4 : memref<16x4096xf32, #tpu.memory_space<vmem>>) dst(%dma_wait3A_315 : memref<16x4096xf32, #tpu.memory_space<hbm>>)
    %dma_wait3A_316 = arith.constant 13 : i32
    %dma_wait3A_317 = arith.constant 0 : i32
    %dma_wait3A_318 = tpu.memref_slice %arg3[%dma_wait3A_316, %mul3A_2, %dma_wait3A_317] : memref<32x512x4096xf32, #tpu.memory_space<hbm>> -> memref<1x16x4096xf32, #tpu.memory_space<hbm>>
    %dma_wait3A_319 = tpu.memref_squeeze %dma_wait3A_318 : memref<1x16x4096xf32, #tpu.memory_space<hbm>> -> memref<16x4096xf32, #tpu.memory_space<hbm>>
    %dma_wait3A_320 = arith.constant 0 : i32
    %dma_wait3A_321 = tpu.memref_slice %arg3[%dma_wait3A_316, %mul3A_2, %dma_wait3A_320] : memref<32x512x4096xf32, #tpu.memory_space<hbm>> -> memref<1x16x4096xf32, #tpu.memory_space<hbm>>
    %dma_wait3A_322 = tpu.memref_squeeze %dma_wait3A_321 : memref<1x16x4096xf32, #tpu.memory_space<hbm>> -> memref<16x4096xf32, #tpu.memory_space<hbm>>
    tpu.wait_dma2 semaphore(%arg5 : memref<!tpu.dma_semaphore, #tpu.memory_space<semaphore_mem>>) src(%arg4 : memref<16x4096xf32, #tpu.memory_space<vmem>>) dst(%dma_wait3A_322 : memref<16x4096xf32, #tpu.memory_space<hbm>>)
    %dma_wait3A_323 = arith.constant 14 : i32
    %dma_wait3A_324 = arith.constant 0 : i32
    %dma_wait3A_325 = tpu.memref_slice %arg3[%dma_wait3A_323, %mul3A_2, %dma_wait3A_324] : memref<32x512x4096xf32, #tpu.memory_space<hbm>> -> memref<1x16x4096xf32, #tpu.memory_space<hbm>>
    %dma_wait3A_326 = tpu.memref_squeeze %dma_wait3A_325 : memref<1x16x4096xf32, #tpu.memory_space<hbm>> -> memref<16x4096xf32, #tpu.memory_space<hbm>>
    %dma_wait3A_327 = arith.constant 0 : i32
    %dma_wait3A_328 = tpu.memref_slice %arg3[%dma_wait3A_323, %mul3A_2, %dma_wait3A_327] : memref<32x512x4096xf32, #tpu.memory_space<hbm>> -> memref<1x16x4096xf32, #tpu.memory_space<hbm>>
    %dma_wait3A_329 = tpu.memref_squeeze %dma_wait3A_328 : memref<1x16x4096xf32, #tpu.memory_space<hbm>> -> memref<16x4096xf32, #tpu.memory_space<hbm>>
    tpu.wait_dma2 semaphore(%arg5 : memref<!tpu.dma_semaphore, #tpu.memory_space<semaphore_mem>>) src(%arg4 : memref<16x4096xf32, #tpu.memory_space<vmem>>) dst(%dma_wait3A_329 : memref<16x4096xf32, #tpu.memory_space<hbm>>)
    %dma_wait3A_330 = arith.constant 15 : i32
    %dma_wait3A_331 = arith.constant 0 : i32
    %dma_wait3A_332 = tpu.memref_slice %arg3[%dma_wait3A_330, %mul3A_2, %dma_wait3A_331] : memref<32x512x4096xf32, #tpu.memory_space<hbm>> -> memref<1x16x4096xf32, #tpu.memory_space<hbm>>
    %dma_wait3A_333 = tpu.memref_squeeze %dma_wait3A_332 : memref<1x16x4096xf32, #tpu.memory_space<hbm>> -> memref<16x4096xf32, #tpu.memory_space<hbm>>
    %dma_wait3A_334 = arith.constant 0 : i32
    %dma_wait3A_335 = tpu.memref_slice %arg3[%dma_wait3A_330, %mul3A_2, %dma_wait3A_334] : memref<32x512x4096xf32, #tpu.memory_space<hbm>> -> memref<1x16x4096xf32, #tpu.memory_space<hbm>>
    %dma_wait3A_336 = tpu.memref_squeeze %dma_wait3A_335 : memref<1x16x4096xf32, #tpu.memory_space<hbm>> -> memref<16x4096xf32, #tpu.memory_space<hbm>>
    tpu.wait_dma2 semaphore(%arg5 : memref<!tpu.dma_semaphore, #tpu.memory_space<semaphore_mem>>) src(%arg4 : memref<16x4096xf32, #tpu.memory_space<vmem>>) dst(%dma_wait3A_336 : memref<16x4096xf32, #tpu.memory_space<hbm>>)
    %dma_wait3A_337 = arith.constant 16 : i32
    %dma_wait3A_338 = arith.constant 0 : i32
    %dma_wait3A_339 = tpu.memref_slice %arg3[%dma_wait3A_337, %mul3A_2, %dma_wait3A_338] : memref<32x512x4096xf32, #tpu.memory_space<hbm>> -> memref<1x16x4096xf32, #tpu.memory_space<hbm>>
    %dma_wait3A_340 = tpu.memref_squeeze %dma_wait3A_339 : memref<1x16x4096xf32, #tpu.memory_space<hbm>> -> memref<16x4096xf32, #tpu.memory_space<hbm>>
    %dma_wait3A_341 = arith.constant 0 : i32
    %dma_wait3A_342 = tpu.memref_slice %arg3[%dma_wait3A_337, %mul3A_2, %dma_wait3A_341] : memref<32x512x4096xf32, #tpu.memory_space<hbm>> -> memref<1x16x4096xf32, #tpu.memory_space<hbm>>
    %dma_wait3A_343 = tpu.memref_squeeze %dma_wait3A_342 : memref<1x16x4096xf32, #tpu.memory_space<hbm>> -> memref<16x4096xf32, #tpu.memory_space<hbm>>
    tpu.wait_dma2 semaphore(%arg5 : memref<!tpu.dma_semaphore, #tpu.memory_space<semaphore_mem>>) src(%arg4 : memref<16x4096xf32, #tpu.memory_space<vmem>>) dst(%dma_wait3A_343 : memref<16x4096xf32, #tpu.memory_space<hbm>>)
    %dma_wait3A_344 = arith.constant 17 : i32
    %dma_wait3A_345 = arith.constant 0 : i32
    %dma_wait3A_346 = tpu.memref_slice %arg3[%dma_wait3A_344, %mul3A_2, %dma_wait3A_345] : memref<32x512x4096xf32, #tpu.memory_space<hbm>> -> memref<1x16x4096xf32, #tpu.memory_space<hbm>>
    %dma_wait3A_347 = tpu.memref_squeeze %dma_wait3A_346 : memref<1x16x4096xf32, #tpu.memory_space<hbm>> -> memref<16x4096xf32, #tpu.memory_space<hbm>>
    %dma_wait3A_348 = arith.constant 0 : i32
    %dma_wait3A_349 = tpu.memref_slice %arg3[%dma_wait3A_344, %mul3A_2, %dma_wait3A_348] : memref<32x512x4096xf32, #tpu.memory_space<hbm>> -> memref<1x16x4096xf32, #tpu.memory_space<hbm>>
    %dma_wait3A_350 = tpu.memref_squeeze %dma_wait3A_349 : memref<1x16x4096xf32, #tpu.memory_space<hbm>> -> memref<16x4096xf32, #tpu.memory_space<hbm>>
    tpu.wait_dma2 semaphore(%arg5 : memref<!tpu.dma_semaphore, #tpu.memory_space<semaphore_mem>>) src(%arg4 : memref<16x4096xf32, #tpu.memory_space<vmem>>) dst(%dma_wait3A_350 : memref<16x4096xf32, #tpu.memory_space<hbm>>)
    %dma_wait3A_351 = arith.constant 18 : i32
    %dma_wait3A_352 = arith.constant 0 : i32
    %dma_wait3A_353 = tpu.memref_slice %arg3[%dma_wait3A_351, %mul3A_2, %dma_wait3A_352] : memref<32x512x4096xf32, #tpu.memory_space<hbm>> -> memref<1x16x4096xf32, #tpu.memory_space<hbm>>
    %dma_wait3A_354 = tpu.memref_squeeze %dma_wait3A_353 : memref<1x16x4096xf32, #tpu.memory_space<hbm>> -> memref<16x4096xf32, #tpu.memory_space<hbm>>
    %dma_wait3A_355 = arith.constant 0 : i32
    %dma_wait3A_356 = tpu.memref_slice %arg3[%dma_wait3A_351, %mul3A_2, %dma_wait3A_355] : memref<32x512x4096xf32, #tpu.memory_space<hbm>> -> memref<1x16x4096xf32, #tpu.memory_space<hbm>>
    %dma_wait3A_357 = tpu.memref_squeeze %dma_wait3A_356 : memref<1x16x4096xf32, #tpu.memory_space<hbm>> -> memref<16x4096xf32, #tpu.memory_space<hbm>>
    tpu.wait_dma2 semaphore(%arg5 : memref<!tpu.dma_semaphore, #tpu.memory_space<semaphore_mem>>) src(%arg4 : memref<16x4096xf32, #tpu.memory_space<vmem>>) dst(%dma_wait3A_357 : memref<16x4096xf32, #tpu.memory_space<hbm>>)
    %dma_wait3A_358 = arith.constant 19 : i32
    %dma_wait3A_359 = arith.constant 0 : i32
    %dma_wait3A_360 = tpu.memref_slice %arg3[%dma_wait3A_358, %mul3A_2, %dma_wait3A_359] : memref<32x512x4096xf32, #tpu.memory_space<hbm>> -> memref<1x16x4096xf32, #tpu.memory_space<hbm>>
    %dma_wait3A_361 = tpu.memref_squeeze %dma_wait3A_360 : memref<1x16x4096xf32, #tpu.memory_space<hbm>> -> memref<16x4096xf32, #tpu.memory_space<hbm>>
    %dma_wait3A_362 = arith.constant 0 : i32
    %dma_wait3A_363 = tpu.memref_slice %arg3[%dma_wait3A_358, %mul3A_2, %dma_wait3A_362] : memref<32x512x4096xf32, #tpu.memory_space<hbm>> -> memref<1x16x4096xf32, #tpu.memory_space<hbm>>
    %dma_wait3A_364 = tpu.memref_squeeze %dma_wait3A_363 : memref<1x16x4096xf32, #tpu.memory_space<hbm>> -> memref<16x4096xf32, #tpu.memory_space<hbm>>
    tpu.wait_dma2 semaphore(%arg5 : memref<!tpu.dma_semaphore, #tpu.memory_space<semaphore_mem>>) src(%arg4 : memref<16x4096xf32, #tpu.memory_space<vmem>>) dst(%dma_wait3A_364 : memref<16x4096xf32, #tpu.memory_space<hbm>>)
    %dma_wait3A_365 = arith.constant 20 : i32
    %dma_wait3A_366 = arith.constant 0 : i32
    %dma_wait3A_367 = tpu.memref_slice %arg3[%dma_wait3A_365, %mul3A_2, %dma_wait3A_366] : memref<32x512x4096xf32, #tpu.memory_space<hbm>> -> memref<1x16x4096xf32, #tpu.memory_space<hbm>>
    %dma_wait3A_368 = tpu.memref_squeeze %dma_wait3A_367 : memref<1x16x4096xf32, #tpu.memory_space<hbm>> -> memref<16x4096xf32, #tpu.memory_space<hbm>>
    %dma_wait3A_369 = arith.constant 0 : i32
    %dma_wait3A_370 = tpu.memref_slice %arg3[%dma_wait3A_365, %mul3A_2, %dma_wait3A_369] : memref<32x512x4096xf32, #tpu.memory_space<hbm>> -> memref<1x16x4096xf32, #tpu.memory_space<hbm>>
    %dma_wait3A_371 = tpu.memref_squeeze %dma_wait3A_370 : memref<1x16x4096xf32, #tpu.memory_space<hbm>> -> memref<16x4096xf32, #tpu.memory_space<hbm>>
    tpu.wait_dma2 semaphore(%arg5 : memref<!tpu.dma_semaphore, #tpu.memory_space<semaphore_mem>>) src(%arg4 : memref<16x4096xf32, #tpu.memory_space<vmem>>) dst(%dma_wait3A_371 : memref<16x4096xf32, #tpu.memory_space<hbm>>)
    %dma_wait3A_372 = arith.constant 21 : i32
    %dma_wait3A_373 = arith.constant 0 : i32
    %dma_wait3A_374 = tpu.memref_slice %arg3[%dma_wait3A_372, %mul3A_2, %dma_wait3A_373] : memref<32x512x4096xf32, #tpu.memory_space<hbm>> -> memref<1x16x4096xf32, #tpu.memory_space<hbm>>
    %dma_wait3A_375 = tpu.memref_squeeze %dma_wait3A_374 : memref<1x16x4096xf32, #tpu.memory_space<hbm>> -> memref<16x4096xf32, #tpu.memory_space<hbm>>
    %dma_wait3A_376 = arith.constant 0 : i32
    %dma_wait3A_377 = tpu.memref_slice %arg3[%dma_wait3A_372, %mul3A_2, %dma_wait3A_376] : memref<32x512x4096xf32, #tpu.memory_space<hbm>> -> memref<1x16x4096xf32, #tpu.memory_space<hbm>>
    %dma_wait3A_378 = tpu.memref_squeeze %dma_wait3A_377 : memref<1x16x4096xf32, #tpu.memory_space<hbm>> -> memref<16x4096xf32, #tpu.memory_space<hbm>>
    tpu.wait_dma2 semaphore(%arg5 : memref<!tpu.dma_semaphore, #tpu.memory_space<semaphore_mem>>) src(%arg4 : memref<16x4096xf32, #tpu.memory_space<vmem>>) dst(%dma_wait3A_378 : memref<16x4096xf32, #tpu.memory_space<hbm>>)
    %dma_wait3A_379 = arith.constant 22 : i32
    %dma_wait3A_380 = arith.constant 0 : i32
    %dma_wait3A_381 = tpu.memref_slice %arg3[%dma_wait3A_379, %mul3A_2, %dma_wait3A_380] : memref<32x512x4096xf32, #tpu.memory_space<hbm>> -> memref<1x16x4096xf32, #tpu.memory_space<hbm>>
    %dma_wait3A_382 = tpu.memref_squeeze %dma_wait3A_381 : memref<1x16x4096xf32, #tpu.memory_space<hbm>> -> memref<16x4096xf32, #tpu.memory_space<hbm>>
    %dma_wait3A_383 = arith.constant 0 : i32
    %dma_wait3A_384 = tpu.memref_slice %arg3[%dma_wait3A_379, %mul3A_2, %dma_wait3A_383] : memref<32x512x4096xf32, #tpu.memory_space<hbm>> -> memref<1x16x4096xf32, #tpu.memory_space<hbm>>
    %dma_wait3A_385 = tpu.memref_squeeze %dma_wait3A_384 : memref<1x16x4096xf32, #tpu.memory_space<hbm>> -> memref<16x4096xf32, #tpu.memory_space<hbm>>
    tpu.wait_dma2 semaphore(%arg5 : memref<!tpu.dma_semaphore, #tpu.memory_space<semaphore_mem>>) src(%arg4 : memref<16x4096xf32, #tpu.memory_space<vmem>>) dst(%dma_wait3A_385 : memref<16x4096xf32, #tpu.memory_space<hbm>>)
    %dma_wait3A_386 = arith.constant 23 : i32
    %dma_wait3A_387 = arith.constant 0 : i32
    %dma_wait3A_388 = tpu.memref_slice %arg3[%dma_wait3A_386, %mul3A_2, %dma_wait3A_387] : memref<32x512x4096xf32, #tpu.memory_space<hbm>> -> memref<1x16x4096xf32, #tpu.memory_space<hbm>>
    %dma_wait3A_389 = tpu.memref_squeeze %dma_wait3A_388 : memref<1x16x4096xf32, #tpu.memory_space<hbm>> -> memref<16x4096xf32, #tpu.memory_space<hbm>>
    %dma_wait3A_390 = arith.constant 0 : i32
    %dma_wait3A_391 = tpu.memref_slice %arg3[%dma_wait3A_386, %mul3A_2, %dma_wait3A_390] : memref<32x512x4096xf32, #tpu.memory_space<hbm>> -> memref<1x16x4096xf32, #tpu.memory_space<hbm>>
    %dma_wait3A_392 = tpu.memref_squeeze %dma_wait3A_391 : memref<1x16x4096xf32, #tpu.memory_space<hbm>> -> memref<16x4096xf32, #tpu.memory_space<hbm>>
    tpu.wait_dma2 semaphore(%arg5 : memref<!tpu.dma_semaphore, #tpu.memory_space<semaphore_mem>>) src(%arg4 : memref<16x4096xf32, #tpu.memory_space<vmem>>) dst(%dma_wait3A_392 : memref<16x4096xf32, #tpu.memory_space<hbm>>)
    %dma_wait3A_393 = arith.constant 24 : i32
    %dma_wait3A_394 = arith.constant 0 : i32
    %dma_wait3A_395 = tpu.memref_slice %arg3[%dma_wait3A_393, %mul3A_2, %dma_wait3A_394] : memref<32x512x4096xf32, #tpu.memory_space<hbm>> -> memref<1x16x4096xf32, #tpu.memory_space<hbm>>
    %dma_wait3A_396 = tpu.memref_squeeze %dma_wait3A_395 : memref<1x16x4096xf32, #tpu.memory_space<hbm>> -> memref<16x4096xf32, #tpu.memory_space<hbm>>
    %dma_wait3A_397 = arith.constant 0 : i32
    %dma_wait3A_398 = tpu.memref_slice %arg3[%dma_wait3A_393, %mul3A_2, %dma_wait3A_397] : memref<32x512x4096xf32, #tpu.memory_space<hbm>> -> memref<1x16x4096xf32, #tpu.memory_space<hbm>>
    %dma_wait3A_399 = tpu.memref_squeeze %dma_wait3A_398 : memref<1x16x4096xf32, #tpu.memory_space<hbm>> -> memref<16x4096xf32, #tpu.memory_space<hbm>>
    tpu.wait_dma2 semaphore(%arg5 : memref<!tpu.dma_semaphore, #tpu.memory_space<semaphore_mem>>) src(%arg4 : memref<16x4096xf32, #tpu.memory_space<vmem>>) dst(%dma_wait3A_399 : memref<16x4096xf32, #tpu.memory_space<hbm>>)
    %dma_wait3A_400 = arith.constant 25 : i32
    %dma_wait3A_401 = arith.constant 0 : i32
    %dma_wait3A_402 = tpu.memref_slice %arg3[%dma_wait3A_400, %mul3A_2, %dma_wait3A_401] : memref<32x512x4096xf32, #tpu.memory_space<hbm>> -> memref<1x16x4096xf32, #tpu.memory_space<hbm>>
    %dma_wait3A_403 = tpu.memref_squeeze %dma_wait3A_402 : memref<1x16x4096xf32, #tpu.memory_space<hbm>> -> memref<16x4096xf32, #tpu.memory_space<hbm>>
    %dma_wait3A_404 = arith.constant 0 : i32
    %dma_wait3A_405 = tpu.memref_slice %arg3[%dma_wait3A_400, %mul3A_2, %dma_wait3A_404] : memref<32x512x4096xf32, #tpu.memory_space<hbm>> -> memref<1x16x4096xf32, #tpu.memory_space<hbm>>
    %dma_wait3A_406 = tpu.memref_squeeze %dma_wait3A_405 : memref<1x16x4096xf32, #tpu.memory_space<hbm>> -> memref<16x4096xf32, #tpu.memory_space<hbm>>
    tpu.wait_dma2 semaphore(%arg5 : memref<!tpu.dma_semaphore, #tpu.memory_space<semaphore_mem>>) src(%arg4 : memref<16x4096xf32, #tpu.memory_space<vmem>>) dst(%dma_wait3A_406 : memref<16x4096xf32, #tpu.memory_space<hbm>>)
    %dma_wait3A_407 = arith.constant 26 : i32
    %dma_wait3A_408 = arith.constant 0 : i32
    %dma_wait3A_409 = tpu.memref_slice %arg3[%dma_wait3A_407, %mul3A_2, %dma_wait3A_408] : memref<32x512x4096xf32, #tpu.memory_space<hbm>> -> memref<1x16x4096xf32, #tpu.memory_space<hbm>>
    %dma_wait3A_410 = tpu.memref_squeeze %dma_wait3A_409 : memref<1x16x4096xf32, #tpu.memory_space<hbm>> -> memref<16x4096xf32, #tpu.memory_space<hbm>>
    %dma_wait3A_411 = arith.constant 0 : i32
    %dma_wait3A_412 = tpu.memref_slice %arg3[%dma_wait3A_407, %mul3A_2, %dma_wait3A_411] : memref<32x512x4096xf32, #tpu.memory_space<hbm>> -> memref<1x16x4096xf32, #tpu.memory_space<hbm>>
    %dma_wait3A_413 = tpu.memref_squeeze %dma_wait3A_412 : memref<1x16x4096xf32, #tpu.memory_space<hbm>> -> memref<16x4096xf32, #tpu.memory_space<hbm>>
    tpu.wait_dma2 semaphore(%arg5 : memref<!tpu.dma_semaphore, #tpu.memory_space<semaphore_mem>>) src(%arg4 : memref<16x4096xf32, #tpu.memory_space<vmem>>) dst(%dma_wait3A_413 : memref<16x4096xf32, #tpu.memory_space<hbm>>)
    %dma_wait3A_414 = arith.constant 27 : i32
    %dma_wait3A_415 = arith.constant 0 : i32
    %dma_wait3A_416 = tpu.memref_slice %arg3[%dma_wait3A_414, %mul3A_2, %dma_wait3A_415] : memref<32x512x4096xf32, #tpu.memory_space<hbm>> -> memref<1x16x4096xf32, #tpu.memory_space<hbm>>
    %dma_wait3A_417 = tpu.memref_squeeze %dma_wait3A_416 : memref<1x16x4096xf32, #tpu.memory_space<hbm>> -> memref<16x4096xf32, #tpu.memory_space<hbm>>
    %dma_wait3A_418 = arith.constant 0 : i32
    %dma_wait3A_419 = tpu.memref_slice %arg3[%dma_wait3A_414, %mul3A_2, %dma_wait3A_418] : memref<32x512x4096xf32, #tpu.memory_space<hbm>> -> memref<1x16x4096xf32, #tpu.memory_space<hbm>>
    %dma_wait3A_420 = tpu.memref_squeeze %dma_wait3A_419 : memref<1x16x4096xf32, #tpu.memory_space<hbm>> -> memref<16x4096xf32, #tpu.memory_space<hbm>>
    tpu.wait_dma2 semaphore(%arg5 : memref<!tpu.dma_semaphore, #tpu.memory_space<semaphore_mem>>) src(%arg4 : memref<16x4096xf32, #tpu.memory_space<vmem>>) dst(%dma_wait3A_420 : memref<16x4096xf32, #tpu.memory_space<hbm>>)
    %dma_wait3A_421 = arith.constant 28 : i32
    %dma_wait3A_422 = arith.constant 0 : i32
    %dma_wait3A_423 = tpu.memref_slice %arg3[%dma_wait3A_421, %mul3A_2, %dma_wait3A_422] : memref<32x512x4096xf32, #tpu.memory_space<hbm>> -> memref<1x16x4096xf32, #tpu.memory_space<hbm>>
    %dma_wait3A_424 = tpu.memref_squeeze %dma_wait3A_423 : memref<1x16x4096xf32, #tpu.memory_space<hbm>> -> memref<16x4096xf32, #tpu.memory_space<hbm>>
    %dma_wait3A_425 = arith.constant 0 : i32
    %dma_wait3A_426 = tpu.memref_slice %arg3[%dma_wait3A_421, %mul3A_2, %dma_wait3A_425] : memref<32x512x4096xf32, #tpu.memory_space<hbm>> -> memref<1x16x4096xf32, #tpu.memory_space<hbm>>
    %dma_wait3A_427 = tpu.memref_squeeze %dma_wait3A_426 : memref<1x16x4096xf32, #tpu.memory_space<hbm>> -> memref<16x4096xf32, #tpu.memory_space<hbm>>
    tpu.wait_dma2 semaphore(%arg5 : memref<!tpu.dma_semaphore, #tpu.memory_space<semaphore_mem>>) src(%arg4 : memref<16x4096xf32, #tpu.memory_space<vmem>>) dst(%dma_wait3A_427 : memref<16x4096xf32, #tpu.memory_space<hbm>>)
    %dma_wait3A_428 = arith.constant 29 : i32
    %dma_wait3A_429 = arith.constant 0 : i32
    %dma_wait3A_430 = tpu.memref_slice %arg3[%dma_wait3A_428, %mul3A_2, %dma_wait3A_429] : memref<32x512x4096xf32, #tpu.memory_space<hbm>> -> memref<1x16x4096xf32, #tpu.memory_space<hbm>>
    %dma_wait3A_431 = tpu.memref_squeeze %dma_wait3A_430 : memref<1x16x4096xf32, #tpu.memory_space<hbm>> -> memref<16x4096xf32, #tpu.memory_space<hbm>>
    %dma_wait3A_432 = arith.constant 0 : i32
    %dma_wait3A_433 = tpu.memref_slice %arg3[%dma_wait3A_428, %mul3A_2, %dma_wait3A_432] : memref<32x512x4096xf32, #tpu.memory_space<hbm>> -> memref<1x16x4096xf32, #tpu.memory_space<hbm>>
    %dma_wait3A_434 = tpu.memref_squeeze %dma_wait3A_433 : memref<1x16x4096xf32, #tpu.memory_space<hbm>> -> memref<16x4096xf32, #tpu.memory_space<hbm>>
    tpu.wait_dma2 semaphore(%arg5 : memref<!tpu.dma_semaphore, #tpu.memory_space<semaphore_mem>>) src(%arg4 : memref<16x4096xf32, #tpu.memory_space<vmem>>) dst(%dma_wait3A_434 : memref<16x4096xf32, #tpu.memory_space<hbm>>)
    %dma_wait3A_435 = arith.constant 30 : i32
    %dma_wait3A_436 = arith.constant 0 : i32
    %dma_wait3A_437 = tpu.memref_slice %arg3[%dma_wait3A_435, %mul3A_2, %dma_wait3A_436] : memref<32x512x4096xf32, #tpu.memory_space<hbm>> -> memref<1x16x4096xf32, #tpu.memory_space<hbm>>
    %dma_wait3A_438 = tpu.memref_squeeze %dma_wait3A_437 : memref<1x16x4096xf32, #tpu.memory_space<hbm>> -> memref<16x4096xf32, #tpu.memory_space<hbm>>
    %dma_wait3A_439 = arith.constant 0 : i32
    %dma_wait3A_440 = tpu.memref_slice %arg3[%dma_wait3A_435, %mul3A_2, %dma_wait3A_439] : memref<32x512x4096xf32, #tpu.memory_space<hbm>> -> memref<1x16x4096xf32, #tpu.memory_space<hbm>>
    %dma_wait3A_441 = tpu.memref_squeeze %dma_wait3A_440 : memref<1x16x4096xf32, #tpu.memory_space<hbm>> -> memref<16x4096xf32, #tpu.memory_space<hbm>>
    tpu.wait_dma2 semaphore(%arg5 : memref<!tpu.dma_semaphore, #tpu.memory_space<semaphore_mem>>) src(%arg4 : memref<16x4096xf32, #tpu.memory_space<vmem>>) dst(%dma_wait3A_441 : memref<16x4096xf32, #tpu.memory_space<hbm>>)
    %dma_wait3A_442 = arith.constant 31 : i32
    %dma_wait3A_443 = arith.constant 0 : i32
    %dma_wait3A_444 = tpu.memref_slice %arg3[%dma_wait3A_442, %mul3A_2, %dma_wait3A_443] : memref<32x512x4096xf32, #tpu.memory_space<hbm>> -> memref<1x16x4096xf32, #tpu.memory_space<hbm>>
    %dma_wait3A_445 = tpu.memref_squeeze %dma_wait3A_444 : memref<1x16x4096xf32, #tpu.memory_space<hbm>> -> memref<16x4096xf32, #tpu.memory_space<hbm>>
    %dma_wait3A_446 = arith.constant 0 : i32
    %dma_wait3A_447 = tpu.memref_slice %arg3[%dma_wait3A_442, %mul3A_2, %dma_wait3A_446] : memref<32x512x4096xf32, #tpu.memory_space<hbm>> -> memref<1x16x4096xf32, #tpu.memory_space<hbm>>
    %dma_wait3A_448 = tpu.memref_squeeze %dma_wait3A_447 : memref<1x16x4096xf32, #tpu.memory_space<hbm>> -> memref<16x4096xf32, #tpu.memory_space<hbm>>
    tpu.wait_dma2 semaphore(%arg5 : memref<!tpu.dma_semaphore, #tpu.memory_space<semaphore_mem>>) src(%arg4 : memref<16x4096xf32, #tpu.memory_space<vmem>>) dst(%dma_wait3A_448 : memref<16x4096xf32, #tpu.memory_space<hbm>>)
    return
  }
}

</mosaic_0001>

<sc_bundles>
// kernel: kernel.3.cloned.1.call-start
scs
__scs_entry_jumppad:
0x0: {  	(pc) =	sbr.rel $0x88, $3  }
0x1: {  	(tag) =	ssettag $0x0;
	lr =	simm.s32 $0x1  }
0x2: {  	[smem:$0x3FA0] =	sst lr;
	_ =	strace $0xD0000000  }
0x3: {  	_ = 	snop  }
0x4: {  	_ = 	snop  }
0x5: {  	_ = 	snop  }
0x6: {  	_ = 	snop  }
0x7: {  	_ = 	snop  }
__scs_overlays_trampoline_lowered:
0x8: {  	[smem:$0x3FAF] =	sst s0  }
0x9: {  	[smem:$0x3FB0] =	sst s1  }
0xa: {  	[smem:$0x3FB1] =	sst s2  }
0xb: {  	[smem:$0x3FB2] =	sst s3  }
0xc: {  	[smem:$0x3FB3] =	sst s4  }
0xd: {  	[smem:$0x3FB4] =	sst s5  }
0xe: {  	[smem:$0x3FB5] =	sst s6  }
0xf: {  	[smem:$0x3FB6] =	sst s7  }
0x10: {  	[smem:$0x3FB7] =	sst s8  }
0x11: {  	[smem:$0x3FB8] =	sst s9;
	s0 =	simm.s32 @!p0 $0x0  }
0x12: {  	s1 =	sld [smem:$0x3F9E];
	s0 =	simm.s32 @p0 $0x1  }
0x13: {  	[smem:$0x3FB9] =	sst s0;
	s0 =	simm.s32 @!p1 $0x0  }
0x14: {  	s2 =	sld [smem:$0x3F9D];
	s0 =	simm.s32 @p1 $0x1  }
0x15: {  	[smem:$0x3FBA] =	sst s0;
	s0 =	simm.s32 @!p2 $0x0  }
0x16: {  	s3 =	sld [smem:$0x3FDB];
	s0 =	simm.s32 @p2 $0x1  }
0x17: {  	s4 =	simm.s32 $0x1BF5;
	[smem:$0x3FBC] =	sst s0  }
0x18: {  	s0 =	sld [smem:$0x3F9F];
	_ =	swait.ge [sflag:s4], $0x0  }
0x19: {  	s7 =	sld [smem:$0x3FA0]  }
0x1a: {  	s8 =	sadd.s32 $0xFFFFE003, lr  }
0x1b: {  	s9 =	sadd.s32 $0xFFFFFEF7, lr;
	s5 =	simm.s32 $0xFFFFFFFF;
	p2 =	slt.u32 s8, $0xFFFFF086  }
0x1c: {  	p1 =	slt.u32 s9, $0xF7A;
	s5 =	simm.s32 @!p2 $0x0  }
0x1d: {  	s5 =	simm.s32 @p1 $0x1;
	p0 =	seq.s32 s7, s2  }
0x1e: {  	s7 =	smul.u32 @!p0 $0xF7A, s2;
	p2 =	seq.s32 @!p0 s5, $0x0  }
0x1f: {  	s9 =	smul.u32 $0xF7A, s1;
	s8 =	simm.s32 @!p0 $0x1BF5;
	p2 =	por !p2, p0  }
0x20: {  	[sflag:s8] =	ssyncset.s32 @!p0 $0xFFFFF086;
	s6 =	sadd.s32 @!p0 s3, s7;
	s7 =	simm.s32 @!p0 $0x108  }
0x21: {  	s3 =	sadd.s32 s3, s9;
	s6 =	sadd.s32 @!p0 $0x88, s6;
	s7 =	simm.s32 @p2 $0x1082  }
0x22: {  	[simem:s7], [sflag:s8] =	dma.local @!p0 [hbm:s6], $0xF7A  }
0x23: {  	s9 =	sor.u32 $0xD0000000, s2;
	s6 =	simm.s32 $0x108;
	_ =	swait.ge @!p0 [sflag:s8], $0x0  }
0x24: {  	s3 =	sadd.s32 $0x88, s3;
	s6 =	simm.s32 @!p1 $0x1082;
	[sflag:s4] =	ssyncset.s32 $0xFFFFF086  }
0x25: {  	[simem:s6], [sflag:s4] =	dma.local [hbm:s3], $0xF7A  }
0x26: {  	[smem:$0x3FA0] =	sst s1;
	(tag) =	ssettag s2;
	_ =	strace s9  }
0x27: {  	s1 =	sld [smem:$0x3FB0]  }
0x28: {  	s2 =	sld [smem:$0x3FB1]  }
0x29: {  	s4 =	sld [smem:$0x3FB3]  }
0x2a: {  	p0 =	seq.s32 s5, $0x0;
	s5 =	sld [smem:$0x3FB4]  }
0x2b: {  	s6 =	sld [smem:$0x3FB5]  }
0x2c: {  	s7 =	sld [smem:$0x3FB6]  }
0x2d: {  	s3 =	simm.s32 $0x108;
	s8 =	sld [smem:$0x3FB7]  }
0x2e: {  	s3 =	simm.s32 @!p0 $0x1082;
	s9 =	sld [smem:$0x3FB8]  }
0x2f: {  	lr =	sadd.s32 s0, s3;
	s0 =	sld [smem:$0x3FAF]  }
0x30: {  	s3 =	sld [smem:$0x3FB2]  }
0x31: {  	[smem:$0x3FBB] =	sst s10  }
0x32: {  	s10 =	sld [smem:$0x3FB9];
	_ =	sdelay $0x3  }
0x33: {  	p0 =	seq.s32 s10, $0x1;
	s10 =	sld [smem:$0x3FBB];
	_ =	sdelay $0x3  }
0x34: {  	[smem:$0x3FBB] =	sst s10  }
0x35: {  	s10 =	sld [smem:$0x3FBA];
	_ =	sdelay $0x3  }
0x36: {  	p1 =	seq.s32 s10, $0x1;
	s10 =	sld [smem:$0x3FBB];
	_ =	sdelay $0x3  }
0x37: {  	[smem:$0x3FBB] =	sst s10  }
0x38: {  	s10 =	sld [smem:$0x3FBC]  }
0x39: {  	_ = 	snop;
	(pc) =	sbr.ind lr, $3  }
0x3a: {  	_ = 	snop  }
0x3b: {  	_ = 	snop  }
0x3c: {  	p2 =	seq.s32 s10, $0x1;
	s10 =	sld [smem:$0x3FBB]  }
0x3d: {  	_ =	shalt  }
0x3e: {  	_ =	shalt  }
0x3f: {  	_ =	shalt  }
0x40: {  	_ =	shalt  }
0x41: {  	_ =	shalt  }
0x42: {  	_ =	shalt  }
0x43: {  	_ =	shalt  }
0x44: {  	_ =	shalt  }
0x45: {  	_ =	shalt  }
0x46: {  	_ =	shalt  }
0x47: {  	_ =	shalt  }
0x48: {  	_ =	shalt  }
0x49: {  	_ =	shalt  }
0x4a: {  	_ =	shalt  }
0x4b: {  	_ =	shalt  }
0x4c: {  	_ =	shalt  }
0x4d: {  	_ =	shalt  }
0x4e: {  	_ =	shalt  }
0x4f: {  	_ =	shalt  }
0x50: {  	_ =	shalt  }
0x51: {  	_ =	shalt  }
0x52: {  	_ =	shalt  }
0x53: {  	_ =	shalt  }
0x54: {  	_ =	shalt  }
0x55: {  	_ =	shalt  }
0x56: {  	_ =	shalt  }
0x57: {  	_ =	shalt  }
0x58: {  	_ =	shalt  }
0x59: {  	_ =	shalt  }
0x5a: {  	_ =	shalt  }
0x5b: {  	_ =	shalt  }
0x5c: {  	_ =	shalt  }
0x5d: {  	_ =	shalt  }
0x5e: {  	_ =	shalt  }
0x5f: {  	_ =	shalt  }
0x60: {  	_ =	shalt  }
0x61: {  	_ =	shalt  }
0x62: {  	_ =	shalt  }
0x63: {  	_ =	shalt  }
0x64: {  	_ =	shalt  }
0x65: {  	_ =	shalt  }
0x66: {  	_ =	shalt  }
0x67: {  	_ =	shalt  }
0x68: {  	_ =	shalt  }
0x69: {  	_ =	shalt  }
0x6a: {  	_ =	shalt  }
0x6b: {  	_ =	shalt  }
0x6c: {  	_ =	shalt  }
0x6d: {  	_ =	shalt  }
0x6e: {  	_ =	shalt  }
0x6f: {  	_ =	shalt  }
0x70: {  	_ =	shalt  }
0x71: {  	_ =	shalt  }
0x72: {  	_ =	shalt  }
0x73: {  	_ =	shalt  }
0x74: {  	_ =	shalt  }
0x75: {  	_ =	shalt  }
0x76: {  	_ =	shalt  }
0x77: {  	_ =	shalt  }
0x78: {  	_ =	shalt  }
0x79: {  	_ =	shalt  }
0x7a: {  	_ =	shalt  }
0x7b: {  	_ =	shalt  }
0x7c: {  	_ =	shalt  }
0x7d: {  	_ =	shalt  }
0x7e: {  	_ =	shalt  }
0x7f: {  	_ =	shalt  }
0x80: {  	_ =	shalt  }
0x81: {  	_ =	shalt  }
0x82: {  	_ =	shalt  }
0x83: {  	_ =	shalt  }
0x84: {  	_ =	shalt  }
0x85: {  	_ =	shalt  }
0x86: {  	_ =	shalt  }
0x87: {  	_ =	shalt  }
.Lfunc_end0:
.L_simem_size_0:
called_computation_lowered:
.L_overlay_start_0:
0x88: {  	s2 =	sld [smem:$0x3FD9]  }
0x89: {  	s3 =	sld [smem:$0x3FFE];
	_ =	sdelay $0x1  }
0x8a: {  	s1 =	srdreg.scid  }
0x8b: {  	s0 =	sand.u32 $0x1, s1  }
0x8c: {  	s16 =	sshll.u32 s0, $0xA;
	s2 =	sadd.s32 s3, s2  }
0x8d: {  	s2 =	sadd.s32 s2, s16  }
0x8e: {  	[smem:$0x3FC7] =	sst s2  }
0x8f: {  	_ = 	snop  }
0x90: {  	(tm) =	ssettm $0x1  }
0x91: {  	s17 =	sld [smem:$0x3FFB];
	_ =	sdelay $0x3  }
0x92: {  	_ =	strace s17  }
0x93: {  	s2 =	sld [smem:$0x3FFC];
	_ =	sdelay $0x3  }
0x94: {  	_ =	strace s2  }
0x95: {  	s2 =	sld [smem:$0x3FFD];
	_ =	sdelay $0x3  }
0x96: {  	_ =	strace s2  }
0x97: {  	_ =	strace $0x8FFFFFFF  }
0x98: {  	s18 =	sld [smem:$0x3FDB];
	_ =	sdelay $0x1  }
0x99: {  	s19 =	simm.s32 $_scs_section_size  }
0x9a: {  	s4 =	simm.s32 $_size__tile_overlayer_lowered;
	s5 =	simm.s32 $_tile_overlayer_lowered  }
0x9b: {  	s22 =	simm.s32 $0x1BFF;
	s21 =	sshll.u32 s5, $0x1;
	s2 =	sadd.s32 s19, s18  }
0x9c: {  	s6 =	simm.s32 $0x0;
	s20 =	sshll.u32 s4, $0x1;
	s4 =	sadd.s32 s21, s2  }
0x9d: {  	[timem:s6], [sflag:s22] =	dma.local [hbm:s4], s20  }
0x9e: {  	_ =	swait.ge [sflag:s22], s20  }
0x9f: {  	s3 =	ssub.s32 $0x0, s20;
	[sflag:s22] =	ssyncset.done $0x0  }
0xa0: {  	[sflag:s22] =	ssyncadd.s32 s3;
	_ =	sdelay $0x1  }
0xa1: {  	s23 =	simm.s32 $0x1B8B  }
0xa2: {  	_ =	swait.ge [sflag:s23], $0x1  }
0xa3: {  	[sflag:s23] =	ssyncset.done $0x0  }
0xa4: {  	s25 =	simm.s32 $0x1B8E;
	s24 =	sld [smem:$0x3FFE];
	[sflag:s23] =	ssyncadd.s32 $0xFFFFFFFF  }
0xa5: {  	s26 =	simm.s32 $execute0_lowered;
	[smem:$0x3FD2] =	sst s25  }
0xa6: {  	s4 =	sshll.u32 s26, $0x1;
	_ =	strace $0x80000046;
	[dreg:$0x1] =	wrdreg $0xFFFFFFFF  }
0xa7: {  	s28 =	simm.s32 $_size_execute0_lowered;
	s2 =	sadd.s32 s2, s4;
	[dreg:$0x0] =	wrdreg $0x0  }
0xa8: {  	s4 =	sshll.u32 s28, $0x1;
	[dreg:$0x2] =	wrdreg s2  }
0xa9: {  	[dreg:$0x3] =	wrdreg s4  }
0xaa: {  	[dreg:$0x4] =	wrdreg $0xC0  }
0xab: {  	_ =	task [dreg:s6], $0x5FFFF  }
0xac: {  	[dreg:$0x1] =	wrdreg $0xFFFFFFFF  }
0xad: {  	[dreg:$0x0] =	wrdreg $0x60  }
0xae: {  	[dreg:$0x2] =	wrdreg s24  }
0xaf: {  	[dreg:$0x3] =	wrdreg $0x9  }
0xb0: {  	_ =	task.clear_ibuf [dreg:s6], $0x4FFFF;
	_ =	strace $0x90000046  }
0xb1: {  	s29 =	simm.s32 $0x9;
	_ =	strace $0x80000048  }
0xb2: {  	_ =	swait.ge [sflag:s29], $0x1  }
0xb3: {  	[sflag:s29] =	ssyncadd.s32 $0xFFFFFFFF  }
0xb4: {  	_ =	strace $0x90000048  }
0xb5: {  	_ =	sfence  }
0xb6: {  	s30 =	sld [smem:$0x0];
	_ =	sdelay $0x2  }
0xb7: {  	s31 =	sshll.u32 s1, $0xD;
	s1 =	sshrl.u32 s1, $0x2  }
0xb8: {  	s3 =	sand.u32 $0x4000, s31;
	s1 =	sadd.s32 s1, s30  }
0xb9: {  	s0 =	sor.u32 s3, s0;
	s1 =	sshll.u32 s1, $0x11  }
0xba: {  	s0 =	sor.u32 s1, s0  }
0xbb: {  	s0 =	sadd.s32 $0x8F2B, s0  }
0xbc: {  	[sflag:s0] =	ssyncadd.remote.s32 $0x1  }
0xbd: {  	_ =	sfence.sel $0xFFFF  }
0xbe: {  	[dreg:$0x0] =	wrdreg $0xFFFFFFFF;
	(pc) =	sbr.abs _section_cstart, $3  }
0xbf: {  	[dreg:$0x1] =	wrdreg $0xFFFFFFFF  }
0xc0: {  	_ =	task.clear_ibuf [dreg:s6], $0x2FFFF;
	_ =	strace $0x9FFFFFFF  }
0xc1: {  	(tm) =	ssettm $0x7FFFFFFF  }
tec
execute0_lowered:
.L_overlay_start_1:
0x0: {  	(tag) =	ssettag $0x1  }
0x1: {  	s0 =	srdreg.scid  }
0x2: {  	s2 =	stileid.u32;
	s0 =	sand.u32 $0x1, s0  }
0x3: {  	s2 =	sshll.u32 s2, $0xE;
	s4 =	sshll.u32 s0, $0xD  }
0x4: {  	s1 =	rddreg [dreg:$0x0];
	s3 =	simm.s32 $0x0;
	s2 =	sor.u32 s4, s2  }
0x5: {  	[smem:$0x7FF] =	sst s3;
	s1 =	sadd.s32 s2, s1  }
0x6: {  	_ =	strace $0x80000047;
	s2 =	sadd.s32 $0x40400, s1  }
0x7: {  	s22 =	sadd.s32 $0x80400, s1;
	s24 =	sadd.s32 $0xC0400, s1;
	s26 =	sadd.s32 $0x100400, s1  }
0x8: {  	s25 =	sadd.s32 $0x140400, s1;
	s5 =	sadd.s32 $0x180400, s1  }
0x9: {  	s6 =	sadd.s32 $0x1C0400, s1;
	s7 =	sadd.s32 $0x200400, s1  }
0xa: {  	s8 =	sadd.s32 $0x240400, s1;
	s9 =	sadd.s32 $0x280400, s1  }
0xb: {  	s0 =	ssub.s32 $0x2, s0;
	s10 =	sadd.s32 $0x2C0400, s1;
	s11 =	sadd.s32 $0x300400, s1  }
0xc: {  	s14 =	sshrl.u32 s0, $0x1;
	s12 =	sadd.s32 $0x340400, s1;
	s13 =	sadd.s32 $0x380400, s1  }
0xd: {  	s0 =	ssub.s32 s0, s14;
	s14 =	sadd.s32 $0x3C0400, s1;
	s15 =	sadd.s32 $0x400400, s1  }
0xe: {  	s16 =	sadd.s32 $0x440400, s1;
	s17 =	sadd.s32 $0x480400, s1  }
0xf: {  	p0 =	por $0x0, $0x0;
	s19 =	sadd.s32 $0x500400, s1;
	s20 =	sadd.s32 $0x540400, s1  }
0x10: {  	s18 =	sadd.s32 $0x400, s1;
	s21 =	sadd.s32 $0x580400, s1;
	s23 =	sadd.s32 $0x600400, s1  }
0x11: {  	s28 =	sadd.s32 $0x700400, s1;
	s0 =	smax.u32 s0, $0x1;
	[dreg:$0x8] =	wrdreg s25  }
0x12: {  	s29 =	sadd.s32 $0x740400, s1;
	[dreg:$0x2] =	wrdreg s18;
	p1 =	sne.s32 s0, $0x1  }
.Ltmp0:
0x13: {  	s30 =	sadd.s32 $0x780400, s1;
	[dreg:$0x3] =	wrdreg s2;
	(pc) =	sbr.rel @!p1 .LBB2_3-.Ltmp0, $4  }
0x14: {  	s31 =	sadd.s32 $0x7C0400, s1;
	s18 =	sadd.s32 $0x4C0400, s1;
	[dreg:$0x4] =	wrdreg s22  }
0x15: {  	s22 =	sadd.s32 $0x5C0400, s1;
	[dreg:$0x5] =	wrdreg s24;
	s24 =	sadd.s32 $0x640400, s1  }
0x16: {  	s25 =	sadd.s32 $0x680400, s1;
	[dreg:$0x6] =	wrdreg s26;
	s26 =	sadd.s32 $0x6C0400, s1  }
0x17: {  	s4 =	sadd.s32 $0xFFFFFFFF, s0;
	s2 =	simm.s32 $0x1;
	s0 =	rddreg [dreg:$0x2]  }
0x18: {  	[hbm4b:s0+s3] =	stream.linear.scatter [tilespmem:s3], [sflag:$0x1], $0x10000, $0x38;
	[tilespmem:$0x10000] =	vst v63  }
0x19: {  	s1 =	rddreg [dreg:$0x3]  }
0x1a: {  	[hbm4b:s1+s3] =	stream.linear.scatter [tilespmem:s3], [sflag:$0x1], $0x10000, $0x38;
	[tilespmem:$0x10000] =	vst v63  }
0x1b: {  	s0 =	rddreg [dreg:$0x4]  }
0x1c: {  	[hbm4b:s0+s3] =	stream.linear.scatter [tilespmem:s3], [sflag:$0x1], $0x10000, $0x38;
	[tilespmem:$0x10000] =	vst v63  }
0x1d: {  	s1 =	rddreg [dreg:$0x5]  }
0x1e: {  	[hbm4b:s1+s3] =	stream.linear.scatter [tilespmem:s3], [sflag:$0x1], $0x10000, $0x38;
	[tilespmem:$0x10000] =	vst v63  }
0x1f: {  	s0 =	rddreg [dreg:$0x6]  }
0x20: {  	[hbm4b:s0+s3] =	stream.linear.scatter [tilespmem:s3], [sflag:$0x1], $0x10000, $0x38;
	[tilespmem:$0x10000] =	vst v63  }
0x21: {  	s1 =	rddreg [dreg:$0x8]  }
0x22: {  	[hbm4b:s1+s3] =	stream.linear.scatter [tilespmem:s3], [sflag:$0x1], $0x10000, $0x38;
	[tilespmem:$0x10000] =	vst v63  }
0x23: {  	_ = 	snop  }
0x24: {  	[hbm4b:s5+s3] =	stream.linear.scatter [tilespmem:s3], [sflag:$0x1], $0x10000, $0x38;
	[tilespmem:$0x10000] =	vst v63  }
0x25: {  	_ = 	snop  }
0x26: {  	[hbm4b:s6+s3] =	stream.linear.scatter [tilespmem:s3], [sflag:$0x1], $0x10000, $0x38;
	[tilespmem:$0x10000] =	vst v63  }
0x27: {  	_ = 	snop  }
0x28: {  	[hbm4b:s7+s3] =	stream.linear.scatter [tilespmem:s3], [sflag:$0x1], $0x10000, $0x38;
	[tilespmem:$0x10000] =	vst v63  }
0x29: {  	_ = 	snop  }
0x2a: {  	[hbm4b:s8+s3] =	stream.linear.scatter [tilespmem:s3], [sflag:$0x1], $0x10000, $0x38;
	[tilespmem:$0x10000] =	vst v63  }
0x2b: {  	_ = 	snop  }
0x2c: {  	[hbm4b:s9+s3] =	stream.linear.scatter [tilespmem:s3], [sflag:$0x1], $0x10000, $0x38;
	[tilespmem:$0x10000] =	vst v63  }
0x2d: {  	_ = 	snop  }
0x2e: {  	[hbm4b:s10+s3] =	stream.linear.scatter [tilespmem:s3], [sflag:$0x1], $0x10000, $0x38;
	[tilespmem:$0x10000] =	vst v63  }
0x2f: {  	_ = 	snop  }
0x30: {  	[hbm4b:s11+s3] =	stream.linear.scatter [tilespmem:s3], [sflag:$0x1], $0x10000, $0x38;
	[tilespmem:$0x10000] =	vst v63  }
0x31: {  	_ = 	snop  }
0x32: {  	[hbm4b:s12+s3] =	stream.linear.scatter [tilespmem:s3], [sflag:$0x1], $0x10000, $0x38;
	[tilespmem:$0x10000] =	vst v63  }
0x33: {  	_ = 	snop  }
0x34: {  	[hbm4b:s13+s3] =	stream.linear.scatter [tilespmem:s3], [sflag:$0x1], $0x10000, $0x38;
	[tilespmem:$0x10000] =	vst v63  }
0x35: {  	_ = 	snop  }
0x36: {  	[hbm4b:s14+s3] =	stream.linear.scatter [tilespmem:s3], [sflag:$0x1], $0x10000, $0x38;
	[tilespmem:$0x10000] =	vst v63  }
0x37: {  	_ = 	snop  }
0x38: {  	[hbm4b:s15+s3] =	stream.linear.scatter [tilespmem:s3], [sflag:$0x1], $0x10000, $0x38;
	[tilespmem:$0x10000] =	vst v63  }
0x39: {  	_ = 	snop  }
0x3a: {  	[hbm4b:s16+s3] =	stream.linear.scatter [tilespmem:s3], [sflag:$0x1], $0x10000, $0x38;
	[tilespmem:$0x10000] =	vst v63  }
0x3b: {  	_ = 	snop  }
0x3c: {  	[hbm4b:s17+s3] =	stream.linear.scatter [tilespmem:s3], [sflag:$0x1], $0x10000, $0x38;
	[tilespmem:$0x10000] =	vst v63  }
0x3d: {  	_ = 	snop  }
0x3e: {  	[hbm4b:s18+s3] =	stream.linear.scatter [tilespmem:s3], [sflag:$0x1], $0x10000, $0x38;
	[tilespmem:$0x10000] =	vst v63  }
0x3f: {  	_ = 	snop  }
0x40: {  	[hbm4b:s19+s3] =	stream.linear.scatter [tilespmem:s3], [sflag:$0x1], $0x10000, $0x38;
	[tilespmem:$0x10000] =	vst v63  }
0x41: {  	_ = 	snop  }
0x42: {  	[hbm4b:s20+s3] =	stream.linear.scatter [tilespmem:s3], [sflag:$0x1], $0x10000, $0x38;
	[tilespmem:$0x10000] =	vst v63  }
0x43: {  	_ = 	snop  }
0x44: {  	[hbm4b:s21+s3] =	stream.linear.scatter [tilespmem:s3], [sflag:$0x1], $0x10000, $0x38;
	[tilespmem:$0x10000] =	vst v63  }
0x45: {  	_ = 	snop  }
0x46: {  	[hbm4b:s22+s3] =	stream.linear.scatter [tilespmem:s3], [sflag:$0x1], $0x10000, $0x38;
	[tilespmem:$0x10000] =	vst v63  }
0x47: {  	_ = 	snop  }
0x48: {  	[hbm4b:s23+s3] =	stream.linear.scatter [tilespmem:s3], [sflag:$0x1], $0x10000, $0x38;
	[tilespmem:$0x10000] =	vst v63  }
0x49: {  	_ = 	snop  }
0x4a: {  	[hbm4b:s24+s3] =	stream.linear.scatter [tilespmem:s3], [sflag:$0x1], $0x10000, $0x38;
	[tilespmem:$0x10000] =	vst v63  }
0x4b: {  	_ = 	snop  }
0x4c: {  	[hbm4b:s25+s3] =	stream.linear.scatter [tilespmem:s3], [sflag:$0x1], $0x10000, $0x38;
	[tilespmem:$0x10000] =	vst v63  }
0x4d: {  	_ = 	snop  }
0x4e: {  	[hbm4b:s26+s3] =	stream.linear.scatter [tilespmem:s3], [sflag:$0x1], $0x10000, $0x38;
	[tilespmem:$0x10000] =	vst v63  }
0x4f: {  	_ = 	snop  }
0x50: {  	[hbm4b:s28+s3] =	stream.linear.scatter [tilespmem:s3], [sflag:$0x1], $0x10000, $0x38;
	[tilespmem:$0x10000] =	vst v63  }
0x51: {  	_ = 	snop  }
0x52: {  	[hbm4b:s29+s3] =	stream.linear.scatter [tilespmem:s3], [sflag:$0x1], $0x10000, $0x38;
	[tilespmem:$0x10000] =	vst v63  }
0x53: {  	_ = 	snop  }
0x54: {  	[hbm4b:s30+s3] =	stream.linear.scatter [tilespmem:s3], [sflag:$0x1], $0x10000, $0x38;
	[tilespmem:$0x10000] =	vst v63  }
0x55: {  	_ = 	snop  }
0x56: {  	[hbm4b:s31+s3] =	stream.linear.scatter [tilespmem:s3], [sflag:$0x1], $0x10000, $0x38;
	[tilespmem:$0x10000] =	vst v63  }
0x57: {  	_ =	swait.ge [sflag:s2], $0x10000  }
0x58: {  	[sflag:s2] =	ssyncset.done $0x0  }
0x59: {  	[sflag:s2] =	ssyncadd.s32 $0xFFFF0000  }
0x5a: {  	_ =	swait.ge [sflag:s2], $0x10000  }
0x5b: {  	[sflag:s2] =	ssyncset.done $0x0  }
0x5c: {  	[sflag:s2] =	ssyncadd.s32 $0xFFFF0000  }
0x5d: {  	_ =	swait.ge [sflag:s2], $0x10000  }
0x5e: {  	[sflag:s2] =	ssyncset.done $0x0  }
0x5f: {  	[sflag:s2] =	ssyncadd.s32 $0xFFFF0000  }
0x60: {  	_ =	swait.ge [sflag:s2], $0x10000  }
0x61: {  	[sflag:s2] =	ssyncset.done $0x0  }
0x62: {  	[sflag:s2] =	ssyncadd.s32 $0xFFFF0000  }
0x63: {  	_ =	swait.ge [sflag:s2], $0x10000  }
0x64: {  	[sflag:s2] =	ssyncset.done $0x0  }
0x65: {  	[sflag:s2] =	ssyncadd.s32 $0xFFFF0000  }
0x66: {  	_ =	swait.ge [sflag:s2], $0x10000  }
0x67: {  	[sflag:s2] =	ssyncset.done $0x0  }
0x68: {  	[sflag:s2] =	ssyncadd.s32 $0xFFFF0000  }
0x69: {  	_ =	swait.ge [sflag:s2], $0x10000  }
0x6a: {  	[sflag:s2] =	ssyncset.done $0x0  }
0x6b: {  	[sflag:s2] =	ssyncadd.s32 $0xFFFF0000  }
0x6c: {  	_ =	swait.ge [sflag:s2], $0x10000  }
0x6d: {  	[sflag:s2] =	ssyncset.done $0x0  }
0x6e: {  	[sflag:s2] =	ssyncadd.s32 $0xFFFF0000  }
0x6f: {  	_ =	swait.ge [sflag:s2], $0x10000  }
0x70: {  	[sflag:s2] =	ssyncset.done $0x0  }
0x71: {  	[sflag:s2] =	ssyncadd.s32 $0xFFFF0000  }
0x72: {  	_ =	swait.ge [sflag:s2], $0x10000  }
0x73: {  	[sflag:s2] =	ssyncset.done $0x0  }
0x74: {  	[sflag:s2] =	ssyncadd.s32 $0xFFFF0000  }
0x75: {  	_ =	swait.ge [sflag:s2], $0x10000  }
0x76: {  	[sflag:s2] =	ssyncset.done $0x0  }
0x77: {  	[sflag:s2] =	ssyncadd.s32 $0xFFFF0000  }
0x78: {  	_ =	swait.ge [sflag:s2], $0x10000  }
0x79: {  	[sflag:s2] =	ssyncset.done $0x0  }
0x7a: {  	[sflag:s2] =	ssyncadd.s32 $0xFFFF0000  }
0x7b: {  	_ =	swait.ge [sflag:s2], $0x10000  }
0x7c: {  	[sflag:s2] =	ssyncset.done $0x0  }
0x7d: {  	[sflag:s2] =	ssyncadd.s32 $0xFFFF0000  }
0x7e: {  	_ =	swait.ge [sflag:s2], $0x10000  }
0x7f: {  	[sflag:s2] =	ssyncset.done $0x0  }
0x80: {  	[sflag:s2] =	ssyncadd.s32 $0xFFFF0000  }
0x81: {  	_ =	swait.ge [sflag:s2], $0x10000  }
0x82: {  	[sflag:s2] =	ssyncset.done $0x0  }
0x83: {  	[sflag:s2] =	ssyncadd.s32 $0xFFFF0000  }
0x84: {  	_ =	swait.ge [sflag:s2], $0x10000  }
0x85: {  	[sflag:s2] =	ssyncset.done $0x0  }
0x86: {  	[sflag:s2] =	ssyncadd.s32 $0xFFFF0000  }
0x87: {  	_ =	swait.ge [sflag:s2], $0x10000  }
0x88: {  	[sflag:s2] =	ssyncset.done $0x0  }
0x89: {  	[sflag:s2] =	ssyncadd.s32 $0xFFFF0000  }
0x8a: {  	_ =	swait.ge [sflag:s2], $0x10000  }
0x8b: {  	[sflag:s2] =	ssyncset.done $0x0  }
0x8c: {  	[sflag:s2] =	ssyncadd.s32 $0xFFFF0000  }
0x8d: {  	_ =	swait.ge [sflag:s2], $0x10000  }
0x8e: {  	[sflag:s2] =	ssyncset.done $0x0  }
0x8f: {  	[sflag:s2] =	ssyncadd.s32 $0xFFFF0000  }
0x90: {  	_ =	swait.ge [sflag:s2], $0x10000  }
0x91: {  	[sflag:s2] =	ssyncset.done $0x0  }
0x92: {  	[sflag:s2] =	ssyncadd.s32 $0xFFFF0000  }
0x93: {  	_ =	swait.ge [sflag:s2], $0x10000  }
0x94: {  	[sflag:s2] =	ssyncset.done $0x0  }
0x95: {  	[sflag:s2] =	ssyncadd.s32 $0xFFFF0000  }
0x96: {  	_ =	swait.ge [sflag:s2], $0x10000  }
0x97: {  	[sflag:s2] =	ssyncset.done $0x0  }
0x98: {  	[sflag:s2] =	ssyncadd.s32 $0xFFFF0000  }
0x99: {  	_ =	swait.ge [sflag:s2], $0x10000  }
0x9a: {  	[sflag:s2] =	ssyncset.done $0x0  }
0x9b: {  	[sflag:s2] =	ssyncadd.s32 $0xFFFF0000  }
0x9c: {  	_ =	swait.ge [sflag:s2], $0x10000  }
0x9d: {  	[sflag:s2] =	ssyncset.done $0x0  }
0x9e: {  	[sflag:s2] =	ssyncadd.s32 $0xFFFF0000  }
0x9f: {  	_ =	swait.ge [sflag:s2], $0x10000  }
0xa0: {  	[sflag:s2] =	ssyncset.done $0x0  }
0xa1: {  	[sflag:s2] =	ssyncadd.s32 $0xFFFF0000  }
0xa2: {  	_ =	swait.ge [sflag:s2], $0x10000  }
0xa3: {  	[sflag:s2] =	ssyncset.done $0x0  }
0xa4: {  	[sflag:s2] =	ssyncadd.s32 $0xFFFF0000  }
0xa5: {  	_ =	swait.ge [sflag:s2], $0x10000  }
0xa6: {  	[sflag:s2] =	ssyncset.done $0x0  }
0xa7: {  	[sflag:s2] =	ssyncadd.s32 $0xFFFF0000  }
0xa8: {  	_ =	swait.ge [sflag:s2], $0x10000  }
0xa9: {  	[sflag:s2] =	ssyncset.done $0x0  }
0xaa: {  	[sflag:s2] =	ssyncadd.s32 $0xFFFF0000  }
0xab: {  	_ =	swait.ge [sflag:s2], $0x10000  }
0xac: {  	[sflag:s2] =	ssyncset.done $0x0  }
0xad: {  	[sflag:s2] =	ssyncadd.s32 $0xFFFF0000  }
0xae: {  	_ =	swait.ge [sflag:s2], $0x10000  }
0xaf: {  	[sflag:s2] =	ssyncset.done $0x0  }
0xb0: {  	p1 =	sne.s32 s4, $0x1;
	[sflag:s2] =	ssyncadd.s32 $0xFFFF0000  }
.Ltmp1:
0xb1: {  	_ =	swait.ge [sflag:s2], $0x10000;
	(pc) =	sbr.rel @!p1 .LBB2_3-.Ltmp1, $4  }
0xb2: {  	[sflag:s2] =	ssyncset.done $0x0  }
0xb3: {  	[sflag:s2] =	ssyncadd.s32 $0xFFFF0000  }
0xb4: {  	s4 =	sadd.s32 $0xFFFFFFFF, s4;
	_ =	swait.ge [sflag:s2], $0x10000  }
0xb5: {  	p0 =	por $0x1, $0x1;
	s0 =	rddreg [dreg:$0x2];
	[sflag:s2] =	ssyncset.done $0x0  }
.LBB2_2:
0xb6: {  	s3 =	sadd.s32 $0xFFFFFFFF, s4;
	[sflag:s2] =	ssyncadd.s32 $0xFFFF0000  }
0xb7: {  	s1 =	simm.s32 $0x0;
	[dreg:$0x7] =	wrdreg s3;
	s3 =	smov.u32 s31  }
0xb8: {  	s31 =	smov.u32 s30;
	s30 =	smov.u32 s29;
	s29 =	smov.u32 s28  }
0xb9: {  	s28 =	smov.u32 s26;
	s26 =	smov.u32 s25;
	s25 =	smov.u32 s24  }
0xba: {  	s24 =	smov.u32 s23;
	s23 =	smov.u32 s22;
	s22 =	smov.u32 s21  }
0xbb: {  	s21 =	smov.u32 s20;
	s20 =	smov.u32 s19;
	s19 =	smov.u32 s18  }
0xbc: {  	s18 =	smov.u32 s17;
	s17 =	smov.u32 s16;
	s16 =	smov.u32 s15  }
0xbd: {  	s15 =	smov.u32 s14;
	s14 =	smov.u32 s13;
	s13 =	smov.u32 s12  }
0xbe: {  	s12 =	smov.u32 s11;
	s11 =	smov.u32 s10;
	s10 =	smov.u32 s9  }
0xbf: {  	[hbm4b:s0+s1] =	stream.linear.scatter [tilespmem:s1], [sflag:$0x1], $0x10000, $0x38;
	[tilespmem:$0x10000] =	vst v63  }
0xc0: {  	s9 =	smov.u32 s8;
	s8 =	smov.u32 s7;
	s7 =	rddreg [dreg:$0x3]  }
0xc1: {  	[hbm4b:s7+s1] =	stream.linear.scatter [tilespmem:s1], [sflag:$0x1], $0x10000, $0x38;
	[tilespmem:$0x10000] =	vst v63  }
0xc2: {  	s0 =	rddreg [dreg:$0x4]  }
0xc3: {  	[hbm4b:s0+s1] =	stream.linear.scatter [tilespmem:s1], [sflag:$0x1], $0x10000, $0x38;
	[tilespmem:$0x10000] =	vst v63  }
0xc4: {  	s7 =	rddreg [dreg:$0x5]  }
0xc5: {  	[hbm4b:s7+s1] =	stream.linear.scatter [tilespmem:s1], [sflag:$0x1], $0x10000, $0x38;
	[tilespmem:$0x10000] =	vst v63  }
0xc6: {  	s0 =	rddreg [dreg:$0x6];
	s7 =	smov.u32 s8  }
0xc7: {  	s8 =	smov.u32 s9;
	s9 =	smov.u32 s10;
	s10 =	smov.u32 s11  }
0xc8: {  	s11 =	smov.u32 s12;
	s12 =	smov.u32 s13;
	s13 =	smov.u32 s14  }
0xc9: {  	s14 =	smov.u32 s15;
	s15 =	smov.u32 s16;
	s16 =	smov.u32 s17  }
0xca: {  	s17 =	smov.u32 s18;
	s18 =	smov.u32 s19;
	s19 =	smov.u32 s20  }
0xcb: {  	s20 =	smov.u32 s21;
	s21 =	smov.u32 s22;
	s22 =	smov.u32 s23  }
0xcc: {  	s23 =	smov.u32 s24;
	s24 =	smov.u32 s25;
	s25 =	smov.u32 s26  }
0xcd: {  	s26 =	smov.u32 s28;
	s28 =	smov.u32 s29;
	s29 =	smov.u32 s30  }
0xce: {  	s30 =	smov.u32 s31;
	s31 =	smov.u32 s3;
	s3 =	simm.s32 $0x0  }
0xcf: {  	[hbm4b:s0+s3] =	stream.linear.scatter [tilespmem:s3], [sflag:$0x1], $0x10000, $0x38;
	[tilespmem:$0x10000] =	vst v63  }
0xd0: {  	s1 =	rddreg [dreg:$0x8]  }
0xd1: {  	[hbm4b:s1+s3] =	stream.linear.scatter [tilespmem:s3], [sflag:$0x1], $0x10000, $0x38;
	[tilespmem:$0x10000] =	vst v63  }
0xd2: {  	_ = 	snop  }
0xd3: {  	[hbm4b:s5+s3] =	stream.linear.scatter [tilespmem:s3], [sflag:$0x1], $0x10000, $0x38;
	[tilespmem:$0x10000] =	vst v63  }
0xd4: {  	_ = 	snop  }
0xd5: {  	[hbm4b:s6+s3] =	stream.linear.scatter [tilespmem:s3], [sflag:$0x1], $0x10000, $0x38;
	[tilespmem:$0x10000] =	vst v63  }
0xd6: {  	_ = 	snop  }
0xd7: {  	[hbm4b:s7+s3] =	stream.linear.scatter [tilespmem:s3], [sflag:$0x1], $0x10000, $0x38;
	[tilespmem:$0x10000] =	vst v63  }
0xd8: {  	_ = 	snop  }
0xd9: {  	[hbm4b:s8+s3] =	stream.linear.scatter [tilespmem:s3], [sflag:$0x1], $0x10000, $0x38;
	[tilespmem:$0x10000] =	vst v63  }
0xda: {  	_ = 	snop  }
0xdb: {  	[hbm4b:s9+s3] =	stream.linear.scatter [tilespmem:s3], [sflag:$0x1], $0x10000, $0x38;
	[tilespmem:$0x10000] =	vst v63  }
0xdc: {  	_ = 	snop  }
0xdd: {  	[hbm4b:s10+s3] =	stream.linear.scatter [tilespmem:s3], [sflag:$0x1], $0x10000, $0x38;
	[tilespmem:$0x10000] =	vst v63  }
0xde: {  	_ = 	snop  }
0xdf: {  	[hbm4b:s11+s3] =	stream.linear.scatter [tilespmem:s3], [sflag:$0x1], $0x10000, $0x38;
	[tilespmem:$0x10000] =	vst v63  }
0xe0: {  	_ = 	snop  }
0xe1: {  	[hbm4b:s12+s3] =	stream.linear.scatter [tilespmem:s3], [sflag:$0x1], $0x10000, $0x38;
	[tilespmem:$0x10000] =	vst v63  }
0xe2: {  	_ = 	snop  }
0xe3: {  	[hbm4b:s13+s3] =	stream.linear.scatter [tilespmem:s3], [sflag:$0x1], $0x10000, $0x38;
	[tilespmem:$0x10000] =	vst v63  }
0xe4: {  	_ = 	snop  }
0xe5: {  	[hbm4b:s14+s3] =	stream.linear.scatter [tilespmem:s3], [sflag:$0x1], $0x10000, $0x38;
	[tilespmem:$0x10000] =	vst v63  }
0xe6: {  	_ = 	snop  }
0xe7: {  	[hbm4b:s15+s3] =	stream.linear.scatter [tilespmem:s3], [sflag:$0x1], $0x10000, $0x38;
	[tilespmem:$0x10000] =	vst v63  }
0xe8: {  	_ = 	snop  }
0xe9: {  	[hbm4b:s16+s3] =	stream.linear.scatter [tilespmem:s3], [sflag:$0x1], $0x10000, $0x38;
	[tilespmem:$0x10000] =	vst v63  }
0xea: {  	_ = 	snop  }
0xeb: {  	[hbm4b:s17+s3] =	stream.linear.scatter [tilespmem:s3], [sflag:$0x1], $0x10000, $0x38;
	[tilespmem:$0x10000] =	vst v63  }
0xec: {  	_ = 	snop  }
0xed: {  	[hbm4b:s18+s3] =	stream.linear.scatter [tilespmem:s3], [sflag:$0x1], $0x10000, $0x38;
	[tilespmem:$0x10000] =	vst v63  }
0xee: {  	_ = 	snop  }
0xef: {  	[hbm4b:s19+s3] =	stream.linear.scatter [tilespmem:s3], [sflag:$0x1], $0x10000, $0x38;
	[tilespmem:$0x10000] =	vst v63  }
0xf0: {  	_ = 	snop  }
0xf1: {  	[hbm4b:s20+s3] =	stream.linear.scatter [tilespmem:s3], [sflag:$0x1], $0x10000, $0x38;
	[tilespmem:$0x10000] =	vst v63  }
0xf2: {  	_ = 	snop  }
0xf3: {  	[hbm4b:s21+s3] =	stream.linear.scatter [tilespmem:s3], [sflag:$0x1], $0x10000, $0x38;
	[tilespmem:$0x10000] =	vst v63  }
0xf4: {  	_ = 	snop  }
0xf5: {  	[hbm4b:s22+s3] =	stream.linear.scatter [tilespmem:s3], [sflag:$0x1], $0x10000, $0x38;
	[tilespmem:$0x10000] =	vst v63  }
0xf6: {  	_ = 	snop  }
0xf7: {  	[hbm4b:s23+s3] =	stream.linear.scatter [tilespmem:s3], [sflag:$0x1], $0x10000, $0x38;
	[tilespmem:$0x10000] =	vst v63  }
0xf8: {  	_ = 	snop  }
0xf9: {  	[hbm4b:s24+s3] =	stream.linear.scatter [tilespmem:s3], [sflag:$0x1], $0x10000, $0x38;
	[tilespmem:$0x10000] =	vst v63  }
0xfa: {  	_ = 	snop  }
0xfb: {  	[hbm4b:s25+s3] =	stream.linear.scatter [tilespmem:s3], [sflag:$0x1], $0x10000, $0x38;
	[tilespmem:$0x10000] =	vst v63  }
0xfc: {  	_ = 	snop  }
0xfd: {  	[hbm4b:s26+s3] =	stream.linear.scatter [tilespmem:s3], [sflag:$0x1], $0x10000, $0x38;
	[tilespmem:$0x10000] =	vst v63  }
0xfe: {  	_ = 	snop  }
0xff: {  	[hbm4b:s28+s3] =	stream.linear.scatter [tilespmem:s3], [sflag:$0x1], $0x10000, $0x38;
	[tilespmem:$0x10000] =	vst v63  }
0x100: {  	_ = 	snop  }
0x101: {  	[hbm4b:s29+s3] =	stream.linear.scatter [tilespmem:s3], [sflag:$0x1], $0x10000, $0x38;
	[tilespmem:$0x10000] =	vst v63  }
0x102: {  	_ = 	snop  }
0x103: {  	[hbm4b:s30+s3] =	stream.linear.scatter [tilespmem:s3], [sflag:$0x1], $0x10000, $0x38;
	[tilespmem:$0x10000] =	vst v63  }
0x104: {  	_ = 	snop  }
0x105: {  	[hbm4b:s31+s3] =	stream.linear.scatter [tilespmem:s3], [sflag:$0x1], $0x10000, $0x38;
	[tilespmem:$0x10000] =	vst v63  }
0x106: {  	p1 =	sne.s32 s4, $0x1;
	s4 =	rddreg [dreg:$0x7];
	_ =	swait.ge [sflag:s2], $0x10000  }
0x107: {  	[sflag:s2] =	ssyncset.done $0x0  }
0x108: {  	[sflag:s2] =	ssyncadd.s32 $0xFFFF0000  }
0x109: {  	_ =	swait.ge [sflag:s2], $0x10000  }
0x10a: {  	[sflag:s2] =	ssyncset.done $0x0  }
0x10b: {  	[sflag:s2] =	ssyncadd.s32 $0xFFFF0000  }
0x10c: {  	_ =	swait.ge [sflag:s2], $0x10000  }
0x10d: {  	[sflag:s2] =	ssyncset.done $0x0  }
0x10e: {  	[sflag:s2] =	ssyncadd.s32 $0xFFFF0000  }
0x10f: {  	_ =	swait.ge [sflag:s2], $0x10000  }
0x110: {  	[sflag:s2] =	ssyncset.done $0x0  }
0x111: {  	[sflag:s2] =	ssyncadd.s32 $0xFFFF0000  }
0x112: {  	_ =	swait.ge [sflag:s2], $0x10000  }
0x113: {  	[sflag:s2] =	ssyncset.done $0x0  }
0x114: {  	[sflag:s2] =	ssyncadd.s32 $0xFFFF0000  }
0x115: {  	_ =	swait.ge [sflag:s2], $0x10000  }
0x116: {  	[sflag:s2] =	ssyncset.done $0x0  }
0x117: {  	[sflag:s2] =	ssyncadd.s32 $0xFFFF0000  }
0x118: {  	_ =	swait.ge [sflag:s2], $0x10000  }
0x119: {  	[sflag:s2] =	ssyncset.done $0x0  }
0x11a: {  	[sflag:s2] =	ssyncadd.s32 $0xFFFF0000  }
0x11b: {  	_ =	swait.ge [sflag:s2], $0x10000  }
0x11c: {  	[sflag:s2] =	ssyncset.done $0x0  }
0x11d: {  	[sflag:s2] =	ssyncadd.s32 $0xFFFF0000  }
0x11e: {  	_ =	swait.ge [sflag:s2], $0x10000  }
0x11f: {  	[sflag:s2] =	ssyncset.done $0x0  }
0x120: {  	[sflag:s2] =	ssyncadd.s32 $0xFFFF0000  }
0x121: {  	_ =	swait.ge [sflag:s2], $0x10000  }
0x122: {  	[sflag:s2] =	ssyncset.done $0x0  }
0x123: {  	[sflag:s2] =	ssyncadd.s32 $0xFFFF0000  }
0x124: {  	_ =	swait.ge [sflag:s2], $0x10000  }
0x125: {  	[sflag:s2] =	ssyncset.done $0x0  }
0x126: {  	[sflag:s2] =	ssyncadd.s32 $0xFFFF0000  }
0x127: {  	_ =	swait.ge [sflag:s2], $0x10000  }
0x128: {  	[sflag:s2] =	ssyncset.done $0x0  }
0x129: {  	[sflag:s2] =	ssyncadd.s32 $0xFFFF0000  }
0x12a: {  	_ =	swait.ge [sflag:s2], $0x10000  }
0x12b: {  	[sflag:s2] =	ssyncset.done $0x0  }
0x12c: {  	[sflag:s2] =	ssyncadd.s32 $0xFFFF0000  }
0x12d: {  	_ =	swait.ge [sflag:s2], $0x10000  }
0x12e: {  	[sflag:s2] =	ssyncset.done $0x0  }
0x12f: {  	[sflag:s2] =	ssyncadd.s32 $0xFFFF0000  }
0x130: {  	_ =	swait.ge [sflag:s2], $0x10000  }
0x131: {  	[sflag:s2] =	ssyncset.done $0x0  }
0x132: {  	[sflag:s2] =	ssyncadd.s32 $0xFFFF0000  }
0x133: {  	_ =	swait.ge [sflag:s2], $0x10000  }
0x134: {  	[sflag:s2] =	ssyncset.done $0x0  }
0x135: {  	[sflag:s2] =	ssyncadd.s32 $0xFFFF0000  }
0x136: {  	_ =	swait.ge [sflag:s2], $0x10000  }
0x137: {  	[sflag:s2] =	ssyncset.done $0x0  }
0x138: {  	[sflag:s2] =	ssyncadd.s32 $0xFFFF0000  }
0x139: {  	_ =	swait.ge [sflag:s2], $0x10000  }
0x13a: {  	[sflag:s2] =	ssyncset.done $0x0  }
0x13b: {  	[sflag:s2] =	ssyncadd.s32 $0xFFFF0000  }
0x13c: {  	_ =	swait.ge [sflag:s2], $0x10000  }
0x13d: {  	[sflag:s2] =	ssyncset.done $0x0  }
0x13e: {  	[sflag:s2] =	ssyncadd.s32 $0xFFFF0000  }
0x13f: {  	_ =	swait.ge [sflag:s2], $0x10000  }
0x140: {  	[sflag:s2] =	ssyncset.done $0x0  }
0x141: {  	[sflag:s2] =	ssyncadd.s32 $0xFFFF0000  }
0x142: {  	_ =	swait.ge [sflag:s2], $0x10000  }
0x143: {  	[sflag:s2] =	ssyncset.done $0x0  }
0x144: {  	[sflag:s2] =	ssyncadd.s32 $0xFFFF0000  }
0x145: {  	_ =	swait.ge [sflag:s2], $0x10000  }
0x146: {  	[sflag:s2] =	ssyncset.done $0x0  }
0x147: {  	[sflag:s2] =	ssyncadd.s32 $0xFFFF0000  }
0x148: {  	_ =	swait.ge [sflag:s2], $0x10000  }
0x149: {  	[sflag:s2] =	ssyncset.done $0x0  }
0x14a: {  	[sflag:s2] =	ssyncadd.s32 $0xFFFF0000  }
0x14b: {  	_ =	swait.ge [sflag:s2], $0x10000  }
0x14c: {  	[sflag:s2] =	ssyncset.done $0x0  }
0x14d: {  	[sflag:s2] =	ssyncadd.s32 $0xFFFF0000  }
0x14e: {  	_ =	swait.ge [sflag:s2], $0x10000  }
0x14f: {  	[sflag:s2] =	ssyncset.done $0x0  }
0x150: {  	[sflag:s2] =	ssyncadd.s32 $0xFFFF0000  }
0x151: {  	_ =	swait.ge [sflag:s2], $0x10000  }
0x152: {  	[sflag:s2] =	ssyncset.done $0x0  }
0x153: {  	[sflag:s2] =	ssyncadd.s32 $0xFFFF0000  }
0x154: {  	_ =	swait.ge [sflag:s2], $0x10000  }
0x155: {  	[sflag:s2] =	ssyncset.done $0x0  }
0x156: {  	[sflag:s2] =	ssyncadd.s32 $0xFFFF0000  }
0x157: {  	_ =	swait.ge [sflag:s2], $0x10000  }
0x158: {  	[sflag:s2] =	ssyncset.done $0x0  }
0x159: {  	[sflag:s2] =	ssyncadd.s32 $0xFFFF0000  }
0x15a: {  	_ =	swait.ge [sflag:s2], $0x10000  }
0x15b: {  	[sflag:s2] =	ssyncset.done $0x0  }
0x15c: {  	[sflag:s2] =	ssyncadd.s32 $0xFFFF0000  }
0x15d: {  	_ =	swait.ge [sflag:s2], $0x10000  }
0x15e: {  	[sflag:s2] =	ssyncset.done $0x0  }
0x15f: {  	[sflag:s2] =	ssyncadd.s32 $0xFFFF0000  }
.Ltmp2:
0x160: {  	_ =	swait.ge [sflag:s2], $0x10000;
	(pc) =	sbr.rel @p1 .LBB2_2-.Ltmp2, $4  }
0x161: {  	[sflag:s2] =	ssyncset.done $0x0  }
0x162: {  	[sflag:s2] =	ssyncadd.s32 $0xFFFF0000  }
0x163: {  	_ =	swait.ge [sflag:s2], $0x10000  }
0x164: {  	s0 =	rddreg [dreg:$0x2];
	[sflag:s2] =	ssyncset.done $0x0  }
.LBB2_3:
0x165: {  	[sflag:s2] =	ssyncadd.s32 @p0 $0xFFFF0000  }
0x166: {  	[hbm4b:s0+s3] =	stream.linear.scatter [tilespmem:s3], [sflag:$0x1], $0x10000, $0x38;
	[tilespmem:$0x10000] =	vst v63  }
0x167: {  	s1 =	rddreg [dreg:$0x3]  }
0x168: {  	[hbm4b:s1+s3] =	stream.linear.scatter [tilespmem:s3], [sflag:$0x1], $0x10000, $0x38;
	[tilespmem:$0x10000] =	vst v63  }
0x169: {  	s4 =	rddreg [dreg:$0x4]  }
0x16a: {  	[hbm4b:s4+s3] =	stream.linear.scatter [tilespmem:s3], [sflag:$0x1], $0x10000, $0x38;
	[tilespmem:$0x10000] =	vst v63  }
0x16b: {  	s1 =	rddreg [dreg:$0x5]  }
0x16c: {  	[hbm4b:s1+s3] =	stream.linear.scatter [tilespmem:s3], [sflag:$0x1], $0x10000, $0x38;
	[tilespmem:$0x10000] =	vst v63  }
0x16d: {  	s4 =	rddreg [dreg:$0x6]  }
0x16e: {  	[hbm4b:s4+s3] =	stream.linear.scatter [tilespmem:s3], [sflag:$0x1], $0x10000, $0x38;
	[tilespmem:$0x10000] =	vst v63  }
0x16f: {  	s4 =	rddreg [dreg:$0x8]  }
0x170: {  	[hbm4b:s4+s3] =	stream.linear.scatter [tilespmem:s3], [sflag:$0x1], $0x10000, $0x38;
	[tilespmem:$0x10000] =	vst v63  }
0x171: {  	_ = 	snop  }
0x172: {  	[hbm4b:s5+s3] =	stream.linear.scatter [tilespmem:s3], [sflag:$0x1], $0x10000, $0x38;
	[tilespmem:$0x10000] =	vst v63  }
0x173: {  	_ = 	snop  }
0x174: {  	[hbm4b:s6+s3] =	stream.linear.scatter [tilespmem:s3], [sflag:$0x1], $0x10000, $0x38;
	[tilespmem:$0x10000] =	vst v63  }
0x175: {  	_ = 	snop  }
0x176: {  	[hbm4b:s7+s3] =	stream.linear.scatter [tilespmem:s3], [sflag:$0x1], $0x10000, $0x38;
	[tilespmem:$0x10000] =	vst v63  }
0x177: {  	_ = 	snop  }
0x178: {  	[hbm4b:s8+s3] =	stream.linear.scatter [tilespmem:s3], [sflag:$0x1], $0x10000, $0x38;
	[tilespmem:$0x10000] =	vst v63  }
0x179: {  	_ = 	snop  }
0x17a: {  	[hbm4b:s9+s3] =	stream.linear.scatter [tilespmem:s3], [sflag:$0x1], $0x10000, $0x38;
	[tilespmem:$0x10000] =	vst v63  }
0x17b: {  	_ = 	snop  }
0x17c: {  	[hbm4b:s10+s3] =	stream.linear.scatter [tilespmem:s3], [sflag:$0x1], $0x10000, $0x38;
	[tilespmem:$0x10000] =	vst v63  }
0x17d: {  	_ = 	snop  }
0x17e: {  	[hbm4b:s11+s3] =	stream.linear.scatter [tilespmem:s3], [sflag:$0x1], $0x10000, $0x38;
	[tilespmem:$0x10000] =	vst v63  }
0x17f: {  	_ = 	snop  }
0x180: {  	[hbm4b:s12+s3] =	stream.linear.scatter [tilespmem:s3], [sflag:$0x1], $0x10000, $0x38;
	[tilespmem:$0x10000] =	vst v63  }
0x181: {  	_ = 	snop  }
0x182: {  	[hbm4b:s13+s3] =	stream.linear.scatter [tilespmem:s3], [sflag:$0x1], $0x10000, $0x38;
	[tilespmem:$0x10000] =	vst v63  }
0x183: {  	_ = 	snop  }
0x184: {  	[hbm4b:s14+s3] =	stream.linear.scatter [tilespmem:s3], [sflag:$0x1], $0x10000, $0x38;
	[tilespmem:$0x10000] =	vst v63  }
0x185: {  	_ = 	snop  }
0x186: {  	[hbm4b:s15+s3] =	stream.linear.scatter [tilespmem:s3], [sflag:$0x1], $0x10000, $0x38;
	[tilespmem:$0x10000] =	vst v63  }
0x187: {  	_ = 	snop  }
0x188: {  	[hbm4b:s16+s3] =	stream.linear.scatter [tilespmem:s3], [sflag:$0x1], $0x10000, $0x38;
	[tilespmem:$0x10000] =	vst v63  }
0x189: {  	_ = 	snop  }
0x18a: {  	[hbm4b:s17+s3] =	stream.linear.scatter [tilespmem:s3], [sflag:$0x1], $0x10000, $0x38;
	[tilespmem:$0x10000] =	vst v63  }
0x18b: {  	_ = 	snop  }
0x18c: {  	[hbm4b:s18+s3] =	stream.linear.scatter [tilespmem:s3], [sflag:$0x1], $0x10000, $0x38;
	[tilespmem:$0x10000] =	vst v63  }
0x18d: {  	_ = 	snop  }
0x18e: {  	[hbm4b:s19+s3] =	stream.linear.scatter [tilespmem:s3], [sflag:$0x1], $0x10000, $0x38;
	[tilespmem:$0x10000] =	vst v63  }
0x18f: {  	_ = 	snop  }
0x190: {  	[hbm4b:s20+s3] =	stream.linear.scatter [tilespmem:s3], [sflag:$0x1], $0x10000, $0x38;
	[tilespmem:$0x10000] =	vst v63  }
0x191: {  	_ = 	snop  }
0x192: {  	[hbm4b:s21+s3] =	stream.linear.scatter [tilespmem:s3], [sflag:$0x1], $0x10000, $0x38;
	[tilespmem:$0x10000] =	vst v63  }
0x193: {  	_ = 	snop  }
0x194: {  	[hbm4b:s22+s3] =	stream.linear.scatter [tilespmem:s3], [sflag:$0x1], $0x10000, $0x38;
	[tilespmem:$0x10000] =	vst v63  }
0x195: {  	_ = 	snop  }
0x196: {  	[hbm4b:s23+s3] =	stream.linear.scatter [tilespmem:s3], [sflag:$0x1], $0x10000, $0x38;
	[tilespmem:$0x10000] =	vst v63  }
0x197: {  	_ = 	snop  }
0x198: {  	[hbm4b:s24+s3] =	stream.linear.scatter [tilespmem:s3], [sflag:$0x1], $0x10000, $0x38;
	[tilespmem:$0x10000] =	vst v63  }
0x199: {  	_ = 	snop  }
0x19a: {  	[hbm4b:s25+s3] =	stream.linear.scatter [tilespmem:s3], [sflag:$0x1], $0x10000, $0x38;
	[tilespmem:$0x10000] =	vst v63  }
0x19b: {  	_ = 	snop  }
0x19c: {  	[hbm4b:s26+s3] =	stream.linear.scatter [tilespmem:s3], [sflag:$0x1], $0x10000, $0x38;
	[tilespmem:$0x10000] =	vst v63  }
0x19d: {  	_ = 	snop  }
0x19e: {  	[hbm4b:s28+s3] =	stream.linear.scatter [tilespmem:s3], [sflag:$0x1], $0x10000, $0x38;
	[tilespmem:$0x10000] =	vst v63  }
0x19f: {  	_ = 	snop  }
0x1a0: {  	[hbm4b:s29+s3] =	stream.linear.scatter [tilespmem:s3], [sflag:$0x1], $0x10000, $0x38;
	[tilespmem:$0x10000] =	vst v63  }
0x1a1: {  	_ = 	snop  }
0x1a2: {  	[hbm4b:s30+s3] =	stream.linear.scatter [tilespmem:s3], [sflag:$0x1], $0x10000, $0x38;
	[tilespmem:$0x10000] =	vst v63  }
0x1a3: {  	_ = 	snop  }
0x1a4: {  	[hbm4b:s31+s3] =	stream.linear.scatter [tilespmem:s3], [sflag:$0x1], $0x10000, $0x38;
	[tilespmem:$0x10000] =	vst v63  }
0x1a5: {  	_ =	swait.ge [sflag:s2], $0x10000  }
0x1a6: {  	[sflag:s2] =	ssyncset.done $0x0  }
0x1a7: {  	[sflag:s2] =	ssyncadd.s32 $0xFFFF0000  }
0x1a8: {  	_ =	swait.ge [sflag:s2], $0x10000  }
0x1a9: {  	[sflag:s2] =	ssyncset.done $0x0  }
0x1aa: {  	[sflag:s2] =	ssyncadd.s32 $0xFFFF0000  }
0x1ab: {  	_ =	swait.ge [sflag:s2], $0x10000  }
0x1ac: {  	[sflag:s2] =	ssyncset.done $0x0  }
0x1ad: {  	[sflag:s2] =	ssyncadd.s32 $0xFFFF0000  }
0x1ae: {  	_ =	swait.ge [sflag:s2], $0x10000  }
0x1af: {  	[sflag:s2] =	ssyncset.done $0x0  }
0x1b0: {  	[sflag:s2] =	ssyncadd.s32 $0xFFFF0000  }
0x1b1: {  	_ =	swait.ge [sflag:s2], $0x10000  }
0x1b2: {  	[sflag:s2] =	ssyncset.done $0x0  }
0x1b3: {  	[sflag:s2] =	ssyncadd.s32 $0xFFFF0000  }
0x1b4: {  	_ =	swait.ge [sflag:s2], $0x10000  }
0x1b5: {  	[sflag:s2] =	ssyncset.done $0x0  }
0x1b6: {  	[sflag:s2] =	ssyncadd.s32 $0xFFFF0000  }
0x1b7: {  	_ =	swait.ge [sflag:s2], $0x10000  }
0x1b8: {  	[sflag:s2] =	ssyncset.done $0x0  }
0x1b9: {  	[sflag:s2] =	ssyncadd.s32 $0xFFFF0000  }
0x1ba: {  	_ =	swait.ge [sflag:s2], $0x10000  }
0x1bb: {  	[sflag:s2] =	ssyncset.done $0x0  }
0x1bc: {  	[sflag:s2] =	ssyncadd.s32 $0xFFFF0000  }
0x1bd: {  	_ =	swait.ge [sflag:s2], $0x10000  }
0x1be: {  	[sflag:s2] =	ssyncset.done $0x0  }
0x1bf: {  	[sflag:s2] =	ssyncadd.s32 $0xFFFF0000  }
0x1c0: {  	_ =	swait.ge [sflag:s2], $0x10000  }
0x1c1: {  	[sflag:s2] =	ssyncset.done $0x0  }
0x1c2: {  	[sflag:s2] =	ssyncadd.s32 $0xFFFF0000  }
0x1c3: {  	_ =	swait.ge [sflag:s2], $0x10000  }
0x1c4: {  	[sflag:s2] =	ssyncset.done $0x0  }
0x1c5: {  	[sflag:s2] =	ssyncadd.s32 $0xFFFF0000  }
0x1c6: {  	_ =	swait.ge [sflag:s2], $0x10000  }
0x1c7: {  	[sflag:s2] =	ssyncset.done $0x0  }
0x1c8: {  	[sflag:s2] =	ssyncadd.s32 $0xFFFF0000  }
0x1c9: {  	_ =	swait.ge [sflag:s2], $0x10000  }
0x1ca: {  	[sflag:s2] =	ssyncset.done $0x0  }
0x1cb: {  	[sflag:s2] =	ssyncadd.s32 $0xFFFF0000  }
0x1cc: {  	_ =	swait.ge [sflag:s2], $0x10000  }
0x1cd: {  	[sflag:s2] =	ssyncset.done $0x0  }
0x1ce: {  	[sflag:s2] =	ssyncadd.s32 $0xFFFF0000  }
0x1cf: {  	_ =	swait.ge [sflag:s2], $0x10000  }
0x1d0: {  	[sflag:s2] =	ssyncset.done $0x0  }
0x1d1: {  	[sflag:s2] =	ssyncadd.s32 $0xFFFF0000  }
0x1d2: {  	_ =	swait.ge [sflag:s2], $0x10000  }
0x1d3: {  	[sflag:s2] =	ssyncset.done $0x0  }
0x1d4: {  	[sflag:s2] =	ssyncadd.s32 $0xFFFF0000  }
0x1d5: {  	_ =	swait.ge [sflag:s2], $0x10000  }
0x1d6: {  	[sflag:s2] =	ssyncset.done $0x0  }
0x1d7: {  	[sflag:s2] =	ssyncadd.s32 $0xFFFF0000  }
0x1d8: {  	_ =	swait.ge [sflag:s2], $0x10000  }
0x1d9: {  	[sflag:s2] =	ssyncset.done $0x0  }
0x1da: {  	[sflag:s2] =	ssyncadd.s32 $0xFFFF0000  }
0x1db: {  	_ =	swait.ge [sflag:s2], $0x10000  }
0x1dc: {  	[sflag:s2] =	ssyncset.done $0x0  }
0x1dd: {  	[sflag:s2] =	ssyncadd.s32 $0xFFFF0000  }
0x1de: {  	_ =	swait.ge [sflag:s2], $0x10000  }
0x1df: {  	[sflag:s2] =	ssyncset.done $0x0  }
0x1e0: {  	[sflag:s2] =	ssyncadd.s32 $0xFFFF0000  }
0x1e1: {  	_ =	swait.ge [sflag:s2], $0x10000  }
0x1e2: {  	[sflag:s2] =	ssyncset.done $0x0  }
0x1e3: {  	[sflag:s2] =	ssyncadd.s32 $0xFFFF0000  }
0x1e4: {  	_ =	swait.ge [sflag:s2], $0x10000  }
0x1e5: {  	[sflag:s2] =	ssyncset.done $0x0  }
0x1e6: {  	[sflag:s2] =	ssyncadd.s32 $0xFFFF0000  }
0x1e7: {  	_ =	swait.ge [sflag:s2], $0x10000  }
0x1e8: {  	[sflag:s2] =	ssyncset.done $0x0  }
0x1e9: {  	[sflag:s2] =	ssyncadd.s32 $0xFFFF0000  }
0x1ea: {  	_ =	swait.ge [sflag:s2], $0x10000  }
0x1eb: {  	[sflag:s2] =	ssyncset.done $0x0  }
0x1ec: {  	[sflag:s2] =	ssyncadd.s32 $0xFFFF0000  }
0x1ed: {  	_ =	swait.ge [sflag:s2], $0x10000  }
0x1ee: {  	[sflag:s2] =	ssyncset.done $0x0  }
0x1ef: {  	[sflag:s2] =	ssyncadd.s32 $0xFFFF0000  }
0x1f0: {  	_ =	swait.ge [sflag:s2], $0x10000  }
0x1f1: {  	[sflag:s2] =	ssyncset.done $0x0  }
0x1f2: {  	[sflag:s2] =	ssyncadd.s32 $0xFFFF0000  }
0x1f3: {  	_ =	swait.ge [sflag:s2], $0x10000  }
0x1f4: {  	[sflag:s2] =	ssyncset.done $0x0  }
0x1f5: {  	[sflag:s2] =	ssyncadd.s32 $0xFFFF0000  }
0x1f6: {  	_ =	swait.ge [sflag:s2], $0x10000  }
0x1f7: {  	[sflag:s2] =	ssyncset.done $0x0  }
0x1f8: {  	[sflag:s2] =	ssyncadd.s32 $0xFFFF0000  }
0x1f9: {  	_ =	swait.ge [sflag:s2], $0x10000  }
0x1fa: {  	[sflag:s2] =	ssyncset.done $0x0  }
0x1fb: {  	[sflag:s2] =	ssyncadd.s32 $0xFFFF0000  }
0x1fc: {  	_ =	swait.ge [sflag:s2], $0x10000  }
0x1fd: {  	[sflag:s2] =	ssyncset.done $0x0  }
0x1fe: {  	[sflag:s2] =	ssyncadd.s32 $0xFFFF0000  }
0x1ff: {  	_ =	swait.ge [sflag:s2], $0x10000  }
0x200: {  	[sflag:s2] =	ssyncset.done $0x0  }
0x201: {  	[sflag:s2] =	ssyncadd.s32 $0xFFFF0000  }
0x202: {  	_ =	swait.ge [sflag:s2], $0x10000  }
0x203: {  	[sflag:s2] =	ssyncset.done $0x0  }
0x204: {  	[sflag:s2] =	ssyncadd.s32 $0xFFFF0000  }
0x205: {  	_ =	sfence.sel $0x180000  }
0x206: {  	[bflag:$0x0] =	sbarrier.arrive $0xFFFF  }
0x207: {  	_ =	strace $0x90000047  }
0x208: {  	s31 =	stileid.u32;
	[bflag:$0x2] =	sbarrier.arrive $0xFFFF  }
0x209: {  	p0 =	sne.s32 s31, $0x0;
	s0 =	rddreg [dreg:$0x1]  }
0x20a: {  	s0 =	sadd.s32 @!p0 $0x100000, s0  }
0x20b: {  	[sflag:s0] =	ssyncadd.tile.s32 @!p0 $0x1;
	_ =	shalt  }
.Lfunc_end2:
_tile_overlayer_lowered:
.L_overlay_start_2:
0x20c: {  	(tag) =	ssettag $0x2  }
0x20d: {  	s0 =	rddreg [dreg:$0x0];
	s2 =	stileid.u32  }
0x20e: {  	s1 =	rddreg [dreg:$0x1];
	p0 =	sne.s32 s2, $0x0  }
0x20f: {  	s3 =	rddreg [dreg:$0x2];
	[bflag:$0x3] =	sbarrier.arrive $0xFFFF;
	s2 =	simm.s32 @!p0 $0x1C02  }
0x210: {  	[timem:s3], [sflag:s2] =	dma.local @!p0 [hbm:s0], s1  }
0x211: {  	s0 =	simm.s32 @!p0 $0x2  }
0x212: {  	_ =	swait.ge @!p0 [sflag:s0], s1  }
0x213: {  	s1 =	ssub.s32 @!p0 $0x0, s1;
	[sflag:s0] =	ssyncset.done @!p0 $0x0  }
0x214: {  	[sflag:s0] =	ssyncadd.s32 @!p0 s1  }
0x215: {  	[bflag:$0x3] =	sbarrier.arrive $0xFFFF  }
0x216: {  	_ =	shalt  }

</sc_bundles>
